<compile_context>
chip_gen: v7x
topology: tpu7x:2x2x1
jax: 0.10.2.dev20260603
libtpu: 0.0.44.dev20260713+nightly
codegen_flags: <defaults>
</compile_context>

<pallas_src>
import functools

import jax
import jax.numpy as jnp
from jax import lax
from jax.experimental import pallas as pl
from jax.experimental.pallas import tpu as pltpu
from jax.experimental.pallas import tpu_sc as plsc

N = 10000
E = 320000
D = 128
G = 16
C = 10

NP = 10240
NC = 2
NS = 16
NW = NC * NS
EPW = E // NW
CHUNK = 128
NFULL = EPW // CHUNK
TAIL = EPW - NFULL * CHUNK
DEPTH = 2
ROWS_PER_TILE = NP // NS

RBLK = 1024
NB = NP // RBLK
PAD_GRAPH = 127


def _sc_aggregate(x, srcr, dstr, zeros_pad, zeros_flat):
    mesh = plsc.VectorSubcoreMesh(core_axis_name="c", subcore_axis_name="s")

    @functools.partial(
        pl.kernel,
        out_type=(jax.ShapeDtypeStruct((NC, NP, D), jnp.float32),
                  jax.ShapeDtypeStruct((NW, NP), jnp.float32)),
        mesh=mesh,
        scratch_types=[
            pltpu.VMEM_SHARED((NP, D), jnp.float32),
            [pltpu.VMEM((CHUNK,), jnp.int32) for _ in range(DEPTH)],
            [pltpu.VMEM((CHUNK,), jnp.int32) for _ in range(DEPTH)],
            [pltpu.VMEM((CHUNK, D), jnp.float32) for _ in range(DEPTH)],
            pltpu.VMEM((TAIL,), jnp.int32),
            pltpu.VMEM((TAIL,), jnp.int32),
            pltpu.VMEM((TAIL, D), jnp.float32),
            pltpu.VMEM((NP,), jnp.float32),
            [pltpu.SemaphoreType.DMA for _ in range(DEPTH)],
            [pltpu.SemaphoreType.DMA for _ in range(DEPTH)],
            [pltpu.SemaphoreType.DMA for _ in range(DEPTH)],
            [pltpu.SemaphoreType.DMA for _ in range(DEPTH)],
            pltpu.SemaphoreType.DMA,
        ],
        compiler_params=pltpu.CompilerParams(needs_layout_passes=False),
    )
    def k(x_hbm, src_hbm, dst_hbm, zeros_hbm, zflat_hbm, agg_out, deg_out,
          a_sh, srcb, dstb, rows, srct, dstt, rowst, degloc,
          semg, sems, sema, semd, semt):
        c = lax.axis_index("c")
        s = lax.axis_index("s")
        wid = s * NC + c
        ebase = wid * EPW
        r0 = s * ROWS_PER_TILE
        pltpu.sync_copy(zeros_hbm, a_sh.at[pl.ds(r0, ROWS_PER_TILE)])
        pltpu.sync_copy(zflat_hbm, degloc)
        for b in range(DEPTH):
            pltpu.sync_copy(src_hbm.at[pl.ds(ebase + b * CHUNK, CHUNK)],
                            srcb[b])
            pltpu.sync_copy(dst_hbm.at[pl.ds(ebase + b * CHUNK, CHUNK)],
                            dstb[b])
            pltpu.async_copy(x_hbm.at[srcb[b]], rows[b], semg[b])
        plsc.subcore_barrier()

        ones16 = jnp.ones((16,), jnp.float32)

        def hist(b):
            for j in range(CHUNK // 16):
                d16 = dstb[b][pl.ds(j * 16, 16)]
                plsc.addupdate_scatter(degloc, [d16], ones16)

        def stage(ck, b, prefetch):
            pltpu.make_async_copy(x_hbm.at[srcb[b]], rows[b],
                                  semg[b]).wait()
            sdesc = pltpu.async_copy(rows[b], a_sh.at[dstb[b]],
                                     sems[b], add=True)
            if prefetch:
                adesc = pltpu.async_copy(
                    src_hbm.at[pl.ds(ebase + (ck + DEPTH) * CHUNK, CHUNK)],
                    srcb[b], sema[b])
            hist(b)
            sdesc.wait()
            if prefetch:
                ddesc = pltpu.async_copy(
                    dst_hbm.at[pl.ds(ebase + (ck + DEPTH) * CHUNK, CHUNK)],
                    dstb[b], semd[b])
                adesc.wait()
                pltpu.async_copy(x_hbm.at[srcb[b]], rows[b], semg[b])
                ddesc.wait()

        def body(ii, carry):
            for b in range(DEPTH):
                stage(DEPTH * ii + b, b, True)
            return carry

        nmain = NFULL // DEPTH - 1
        lax.fori_loop(0, nmain, body, 0)
        for ck in range(nmain * DEPTH, NFULL):
            stage(ck, ck % DEPTH, ck + DEPTH < NFULL)
        tbase = ebase + NFULL * CHUNK
        pltpu.sync_copy(src_hbm.at[pl.ds(tbase, TAIL)], srct)
        pltpu.sync_copy(dst_hbm.at[pl.ds(tbase, TAIL)], dstt)
        pltpu.async_copy(x_hbm.at[srct], rowst, semt).wait()
        pltpu.sync_copy(rowst, a_sh.at[dstt], add=True)
        plsc.addupdate_scatter(degloc, [dstt[...]], ones16)
        plsc.subcore_barrier()
        pltpu.sync_copy(a_sh.at[pl.ds(r0, ROWS_PER_TILE)],
                        agg_out.at[c, pl.ds(r0, ROWS_PER_TILE)])
        pltpu.sync_copy(degloc, deg_out.at[wid])

    return k(x, srcr, dstr, zeros_pad, zeros_flat)


def _tc_body(x_ref, p_ref, d_ref, b_ref, wr_ref, wn_ref, w1_ref, w2_ref,
             bg_ref, b1_ref, b2_ref, o_ref, accp, accc):
    i = pl.program_id(0)

    @pl.when(i == 0)
    def _init():
        accp[...] = jnp.zeros_like(accp)
        accc[...] = jnp.zeros_like(accc)

    agg = p_ref[0] + p_ref[1]
    dsum = jnp.sum(d_ref[...], axis=0)
    r = 1.0 / jnp.maximum(dsum, 1.0)
    rmat = r.reshape(RBLK // 128, 128)
    eye = (lax.broadcasted_iota(jnp.int32, (128, 128), 0)
           == lax.broadcasted_iota(jnp.int32, (128, 128), 1))
    parts = []
    for t in range(RBLK // 128):
        dt = jnp.where(eye, rmat[t:t + 1, :], 0.0)
        parts.append(jnp.dot(dt, agg[128 * t:128 * (t + 1), :],
                             preferred_element_type=jnp.float32))
    aggn = jnp.concatenate(parts, axis=0)
    h = (jnp.dot(x_ref[...], wr_ref[...], preferred_element_type=jnp.float32)
         + jnp.dot(aggn, wn_ref[...], preferred_element_type=jnp.float32)
         + bg_ref[...])
    h = jnp.maximum(h, 0.0)

    b = b_ref[0]
    gr = lax.broadcasted_iota(jnp.int32, (128, RBLK), 0)
    oh = (gr == b).astype(jnp.float32)
    accp[...] += jnp.dot(oh, h, preferred_element_type=jnp.float32)
    accc[...] += jnp.dot(oh, jnp.ones((RBLK, 128), jnp.float32),
                         preferred_element_type=jnp.float32)

    @pl.when(i == NB - 1)
    def _final():
        pooled = accp[...] / jnp.maximum(accc[...], 1.0)
        z1 = jnp.maximum(
            jnp.dot(pooled, w1_ref[...], preferred_element_type=jnp.float32)
            + b1_ref[...], 0.0)
        z = (jnp.dot(z1, w2_ref[...], preferred_element_type=jnp.float32)
             + b2_ref[...])
        lanes = lax.broadcasted_iota(jnp.int32, (128, 128), 1)
        z = jnp.where(lanes < C, z, -1e30)
        m = jnp.max(z, axis=1, keepdims=True)
        e = jnp.exp(z - m)
        sm = e / jnp.sum(e, axis=1, keepdims=True)
        o_ref[...] = sm[0:G, :]


def _tc_classify(x_pad, aggp, degp, batch3, W_root, W_nbr, b_gnn, W1, b1,
                 W2p, b2p):
    return pl.pallas_call(
        _tc_body,
        grid=(NB,),
        in_specs=[
            pl.BlockSpec((RBLK, D), lambda i: (i, 0)),
            pl.BlockSpec((NC, RBLK, D), lambda i: (0, i, 0)),
            pl.BlockSpec((NW, RBLK), lambda i: (0, i)),
            pl.BlockSpec((1, 1, RBLK), lambda i: (i, 0, 0)),
            pl.BlockSpec((D, D), lambda i: (0, 0)),
            pl.BlockSpec((D, D), lambda i: (0, 0)),
            pl.BlockSpec((D, D), lambda i: (0, 0)),
            pl.BlockSpec((D, 128), lambda i: (0, 0)),
            pl.BlockSpec((1, D), lambda i: (0, 0)),
            pl.BlockSpec((1, D), lambda i: (0, 0)),
            pl.BlockSpec((1, 128), lambda i: (0, 0)),
        ],
        out_specs=pl.BlockSpec((G, 128), lambda i: (0, 0)),
        out_shape=jax.ShapeDtypeStruct((G, 128), jnp.float32),
        scratch_shapes=[
            pltpu.VMEM((128, 128), jnp.float32),
            pltpu.VMEM((128, 128), jnp.float32),
        ],
    )(x_pad, aggp, degp, batch3, W_root, W_nbr, W1, W2p, b_gnn, b1, b2p)


def kernel(x, edge_index, batch, W_root, W_nbr, b_gnn, W1, b1, W2, b2):
    zeros_pad = jnp.zeros((ROWS_PER_TILE, D), jnp.float32)
    zeros_flat = jnp.zeros((NP,), jnp.float32)

    aggp, degp = _sc_aggregate(x, edge_index[0], edge_index[1],
                               zeros_pad, zeros_flat)

    x_pad = jnp.pad(x, ((0, NP - N), (0, 0)))
    batch3 = jnp.pad(batch, (0, NP - N),
                     constant_values=PAD_GRAPH).reshape(NB, 1, RBLK)
    W2p = jnp.pad(W2, ((0, 0), (0, 128 - C)))
    b2p = jnp.pad(b2, (0, 128 - C)).reshape(1, 128)
    out = _tc_classify(x_pad, aggp, degp, batch3, W_root, W_nbr,
                       b_gnn.reshape(1, D), W1, b1.reshape(1, D), W2p, b2p)
    return out[:, :C]

# --- scband reference (transcript-rebuilt; emitter-appended) ---
"""Pipeline reference for scband-generic-gnn-8684423872736 (READ-ONLY COPY).

The authoritative reference and input builder live on the scoring server;
editing this copy changes nothing except your own understanding.
"""

import jax, jax.numpy as jnp
import numpy as np

N = 10000   # nodes
E = 320000  # edges
D = 128     # in/out channels of gnn
H = 128     # mlp hidden
C = 10      # num classes
G = 16      # num graphs in batch


def setup_inputs(seed: int = 0) -> dict:
    key = jax.random.key(seed)
    ks = jax.random.split(key, 12)
    x = jax.random.normal(ks[0], (N, D), dtype=jnp.float32)
    edge_index = jax.random.randint(ks[1], (2, E), 0, N, dtype=jnp.int32)
    batch = jnp.sort(jax.random.randint(ks[2], (N,), 0, G, dtype=jnp.int32))
    s = 1.0 / np.sqrt(D)
    W_root = jax.random.normal(ks[3], (D, D), dtype=jnp.float32) * s
    W_nbr = jax.random.normal(ks[4], (D, D), dtype=jnp.float32) * s
    b_gnn = jnp.zeros((D,), dtype=jnp.float32)
    W1 = jax.random.normal(ks[5], (D, H), dtype=jnp.float32) * s
    b1 = jnp.zeros((H,), dtype=jnp.float32)
    W2 = jax.random.normal(ks[6], (H, C), dtype=jnp.float32) * (1.0 / np.sqrt(H))
    b2 = jnp.zeros((C,), dtype=jnp.float32)
    return {"x": x, "edge_index": edge_index, "batch": batch,
            "W_root": W_root, "W_nbr": W_nbr, "b_gnn": b_gnn,
            "W1": W1, "b1": b1, "W2": W2, "b2": b2}


def reference(x, edge_index, batch, W_root, W_nbr, b_gnn, W1, b1, W2, b2):
    src = edge_index[0]
    dst = edge_index[1]
    # gnn: GraphSAGE-style mean aggregation conv
    msgs = x[src]                                   # gather [E, D]
    agg = jax.ops.segment_sum(msgs, dst, num_segments=N)
    deg = jax.ops.segment_sum(jnp.ones((E,), dtype=jnp.float32), dst, num_segments=N)
    agg = agg / jnp.maximum(deg, 1.0)[:, None]
    h = jax.nn.relu(x @ W_root + agg @ W_nbr + b_gnn)  # [N, D]
    # pool: global mean pool over graph ids
    sums = jax.ops.segment_sum(h, batch, num_segments=G)
    counts = jax.ops.segment_sum(jnp.ones((N,), dtype=jnp.float32), batch, num_segments=G)
    pooled = sums / jnp.maximum(counts, 1.0)[:, None]   # [G, D]
    # mlp
    z = jax.nn.relu(pooled @ W1 + b1) @ W2 + b2          # [G, C]
    # softmax(dim=1)
    return jax.nn.softmax(z, axis=1)

if __name__ == "__main__":
    import jax
    _d = setup_inputs()
    print(jax.jit(kernel)(*tuple(_d.values())))

</pallas_src>

<mosaic_0001>
#map = affine_map<(d0, d1) -> (0, 0)>
#map1 = affine_map<(d0, d1) -> (0)>
#map2 = affine_map<(d0, d1) -> (0, 0, 0)>
module attributes {stable_mosaic.version = 14 : i64} {
  func.func @k(%arg0: i32, %arg1: i32, %arg2: memref<10000x128xf32, #tpu.memory_space<hbm>>, %arg3: memref<320000xi32, #tpu.memory_space<hbm>>, %arg4: memref<320000xi32, #tpu.memory_space<hbm>>, %arg5: memref<640x128xf32, #tpu.memory_space<hbm>>, %arg6: memref<10240xf32, #tpu.memory_space<hbm>>, %arg7: memref<2x10240x128xf32, #tpu.memory_space<hbm>>, %arg8: memref<32x10240xf32, #tpu.memory_space<hbm>>, %arg9: memref<10240x128xf32, #tpu.memory_space<vmem_shared>>, %arg10: memref<128xi32, #tpu.memory_space<vmem>>, %arg11: memref<128xi32, #tpu.memory_space<vmem>>, %arg12: memref<128xi32, #tpu.memory_space<vmem>>, %arg13: memref<128xi32, #tpu.memory_space<vmem>>, %arg14: memref<128x128xf32, #tpu.memory_space<vmem>>, %arg15: memref<128x128xf32, #tpu.memory_space<vmem>>, %arg16: memref<16xi32, #tpu.memory_space<vmem>>, %arg17: memref<16xi32, #tpu.memory_space<vmem>>, %arg18: memref<16x128xf32, #tpu.memory_space<vmem>>, %arg19: memref<10240xf32, #tpu.memory_space<vmem>>, %arg20: memref<!tpu.dma_semaphore, #tpu.memory_space<semaphore_mem>>, %arg21: memref<!tpu.dma_semaphore, #tpu.memory_space<semaphore_mem>>, %arg22: memref<!tpu.dma_semaphore, #tpu.memory_space<semaphore_mem>>, %arg23: memref<!tpu.dma_semaphore, #tpu.memory_space<semaphore_mem>>, %arg24: memref<!tpu.dma_semaphore, #tpu.memory_space<semaphore_mem>>, %arg25: memref<!tpu.dma_semaphore, #tpu.memory_space<semaphore_mem>>, %arg26: memref<!tpu.dma_semaphore, #tpu.memory_space<semaphore_mem>>, %arg27: memref<!tpu.dma_semaphore, #tpu.memory_space<semaphore_mem>>, %arg28: memref<!tpu.dma_semaphore, #tpu.memory_space<semaphore_mem>>) attributes {dimension_semantics = [#tpu.dimension_semantics<core_parallel>, #tpu.dimension_semantics<subcore_parallel>], iteration_bounds = array<i64: 2, 16>, scalar_prefetch = 0 : i64, scratch_operands = 20 : i64, tpu.core_type = #tpu.core_type<sc_vector_subcore>, window_params = [{transform_indices = #map}, {transform_indices = #map1}, {transform_indices = #map1}, {transform_indices = #map}, {transform_indices = #map1}, {transform_indices = #map2}, {transform_indices = #map}]} {
    %mul3A = arith.constant 2 : i32
    %mul3A_0 = arith.muli %arg1, %mul3A : i32
    %add3A = arith.addi %mul3A_0, %arg0 : i32
    %mul3A_1 = arith.constant 10000 : i32
    %mul3A_2 = arith.muli %add3A, %mul3A_1 : i32
    %mul3A_3 = arith.constant 640 : i32
    %mul3A_4 = arith.muli %arg1, %mul3A_3 : i32
    "tpu.region"() ({
      %run_scoped3A = tpu.sem_alloc : memref<!tpu.dma_semaphore, #tpu.memory_space<semaphore_mem>>
      %dma_start3A_83 = arith.constant 0 : i32
      %dma_start3A_84 = tpu.memref_slice %arg9[%mul3A_4, %dma_start3A_83] : memref<10240x128xf32, #tpu.memory_space<vmem_shared>> -> memref<640x128xf32, #tpu.memory_space<vmem_shared>>
      tpu.enqueue_dma source(%arg5 : memref<640x128xf32, #tpu.memory_space<hbm>>) target(%dma_start3A_84 : memref<640x128xf32, #tpu.memory_space<vmem_shared>>) target_semaphore(%run_scoped3A : memref<!tpu.dma_semaphore, #tpu.memory_space<semaphore_mem>>)
      %dma_wait3A_85 = arith.constant 0 : i32
      %dma_wait3A_86 = tpu.memref_slice %arg9[%mul3A_4, %dma_wait3A_85] : memref<10240x128xf32, #tpu.memory_space<vmem_shared>> -> memref<640x128xf32, #tpu.memory_space<vmem_shared>>
      tpu.wait_dma2 semaphore(%run_scoped3A : memref<!tpu.dma_semaphore, #tpu.memory_space<semaphore_mem>>) src(%arg5 : memref<640x128xf32, #tpu.memory_space<hbm>>) dst(%dma_wait3A_86 : memref<640x128xf32, #tpu.memory_space<vmem_shared>>)
      tpu.yield
    }) : () -> ()
    "tpu.region"() ({
      %run_scoped3A = tpu.sem_alloc : memref<!tpu.dma_semaphore, #tpu.memory_space<semaphore_mem>>
      tpu.enqueue_dma source(%arg6 : memref<10240xf32, #tpu.memory_space<hbm>>) target(%arg19 : memref<10240xf32, #tpu.memory_space<vmem>>) target_semaphore(%run_scoped3A : memref<!tpu.dma_semaphore, #tpu.memory_space<semaphore_mem>>)
      tpu.wait_dma2 semaphore(%run_scoped3A : memref<!tpu.dma_semaphore, #tpu.memory_space<semaphore_mem>>) src(%arg6 : memref<10240xf32, #tpu.memory_space<hbm>>) dst(%arg19 : memref<10240xf32, #tpu.memory_space<vmem>>)
      tpu.yield
    }) : () -> ()
    %add3A_5 = arith.constant 0 : i32
    %add3A_6 = arith.addi %mul3A_2, %add3A_5 : i32
    "tpu.region"() ({
      %run_scoped3A = tpu.sem_alloc : memref<!tpu.dma_semaphore, #tpu.memory_space<semaphore_mem>>
      %dma_start3A_83 = tpu.memref_slice %arg3[%add3A_6] : memref<320000xi32, #tpu.memory_space<hbm>> -> memref<128xi32, #tpu.memory_space<hbm>>
      %dma_start3A_84 = tpu.memref_slice %arg3[%add3A_6] : memref<320000xi32, #tpu.memory_space<hbm>> -> memref<128xi32, #tpu.memory_space<hbm>>
      tpu.enqueue_dma source(%dma_start3A_84 : memref<128xi32, #tpu.memory_space<hbm>>) target(%arg10 : memref<128xi32, #tpu.memory_space<vmem>>) target_semaphore(%run_scoped3A : memref<!tpu.dma_semaphore, #tpu.memory_space<semaphore_mem>>)
      %dma_wait3A_85 = tpu.memref_slice %arg3[%add3A_6] : memref<320000xi32, #tpu.memory_space<hbm>> -> memref<128xi32, #tpu.memory_space<hbm>>
      %dma_wait3A_86 = tpu.memref_slice %arg3[%add3A_6] : memref<320000xi32, #tpu.memory_space<hbm>> -> memref<128xi32, #tpu.memory_space<hbm>>
      tpu.wait_dma2 semaphore(%run_scoped3A : memref<!tpu.dma_semaphore, #tpu.memory_space<semaphore_mem>>) src(%dma_wait3A_86 : memref<128xi32, #tpu.memory_space<hbm>>) dst(%arg10 : memref<128xi32, #tpu.memory_space<vmem>>)
      tpu.yield
    }) : () -> ()
    %add3A_7 = arith.constant 0 : i32
    %add3A_8 = arith.addi %mul3A_2, %add3A_7 : i32
    "tpu.region"() ({
      %run_scoped3A = tpu.sem_alloc : memref<!tpu.dma_semaphore, #tpu.memory_space<semaphore_mem>>
      %dma_start3A_83 = tpu.memref_slice %arg4[%add3A_8] : memref<320000xi32, #tpu.memory_space<hbm>> -> memref<128xi32, #tpu.memory_space<hbm>>
      %dma_start3A_84 = tpu.memref_slice %arg4[%add3A_8] : memref<320000xi32, #tpu.memory_space<hbm>> -> memref<128xi32, #tpu.memory_space<hbm>>
      tpu.enqueue_dma source(%dma_start3A_84 : memref<128xi32, #tpu.memory_space<hbm>>) target(%arg12 : memref<128xi32, #tpu.memory_space<vmem>>) target_semaphore(%run_scoped3A : memref<!tpu.dma_semaphore, #tpu.memory_space<semaphore_mem>>)
      %dma_wait3A_85 = tpu.memref_slice %arg4[%add3A_8] : memref<320000xi32, #tpu.memory_space<hbm>> -> memref<128xi32, #tpu.memory_space<hbm>>
      %dma_wait3A_86 = tpu.memref_slice %arg4[%add3A_8] : memref<320000xi32, #tpu.memory_space<hbm>> -> memref<128xi32, #tpu.memory_space<hbm>>
      tpu.wait_dma2 semaphore(%run_scoped3A : memref<!tpu.dma_semaphore, #tpu.memory_space<semaphore_mem>>) src(%dma_wait3A_86 : memref<128xi32, #tpu.memory_space<hbm>>) dst(%arg12 : memref<128xi32, #tpu.memory_space<vmem>>)
      tpu.yield
    }) : () -> ()
    %dma_start3A = arith.constant 0 : i32
    %dma_start3A_9 = arith.constant 0 : i32
    %dma_start3A_10 = tpu.memref_slice %arg2[%dma_start3A, %dma_start3A_9] : memref<10000x128xf32, #tpu.memory_space<hbm>> -> memref<10000x128xf32, #tpu.memory_space<hbm>>
    tpu.enqueue_indirect_dma source(%dma_start3A_10 : memref<10000x128xf32, #tpu.memory_space<hbm>>) target(%arg14 : memref<128x128xf32, #tpu.memory_space<vmem>>) offsets(%arg10 : memref<128xi32, #tpu.memory_space<vmem>>) semaphore(%arg20 : memref<!tpu.dma_semaphore, #tpu.memory_space<semaphore_mem>>)
    %add3A_11 = arith.constant 128 : i32
    %add3A_12 = arith.addi %mul3A_2, %add3A_11 : i32
    "tpu.region"() ({
      %run_scoped3A = tpu.sem_alloc : memref<!tpu.dma_semaphore, #tpu.memory_space<semaphore_mem>>
      %dma_start3A_83 = tpu.memref_slice %arg3[%add3A_12] : memref<320000xi32, #tpu.memory_space<hbm>> -> memref<128xi32, #tpu.memory_space<hbm>>
      %dma_start3A_84 = tpu.memref_slice %arg3[%add3A_12] : memref<320000xi32, #tpu.memory_space<hbm>> -> memref<128xi32, #tpu.memory_space<hbm>>
      tpu.enqueue_dma source(%dma_start3A_84 : memref<128xi32, #tpu.memory_space<hbm>>) target(%arg11 : memref<128xi32, #tpu.memory_space<vmem>>) target_semaphore(%run_scoped3A : memref<!tpu.dma_semaphore, #tpu.memory_space<semaphore_mem>>)
      %dma_wait3A_85 = tpu.memref_slice %arg3[%add3A_12] : memref<320000xi32, #tpu.memory_space<hbm>> -> memref<128xi32, #tpu.memory_space<hbm>>
      %dma_wait3A_86 = tpu.memref_slice %arg3[%add3A_12] : memref<320000xi32, #tpu.memory_space<hbm>> -> memref<128xi32, #tpu.memory_space<hbm>>
      tpu.wait_dma2 semaphore(%run_scoped3A : memref<!tpu.dma_semaphore, #tpu.memory_space<semaphore_mem>>) src(%dma_wait3A_86 : memref<128xi32, #tpu.memory_space<hbm>>) dst(%arg11 : memref<128xi32, #tpu.memory_space<vmem>>)
      tpu.yield
    }) : () -> ()
    %add3A_13 = arith.constant 128 : i32
    %add3A_14 = arith.addi %mul3A_2, %add3A_13 : i32
    "tpu.region"() ({
      %run_scoped3A = tpu.sem_alloc : memref<!tpu.dma_semaphore, #tpu.memory_space<semaphore_mem>>
      %dma_start3A_83 = tpu.memref_slice %arg4[%add3A_14] : memref<320000xi32, #tpu.memory_space<hbm>> -> memref<128xi32, #tpu.memory_space<hbm>>
      %dma_start3A_84 = tpu.memref_slice %arg4[%add3A_14] : memref<320000xi32, #tpu.memory_space<hbm>> -> memref<128xi32, #tpu.memory_space<hbm>>
      tpu.enqueue_dma source(%dma_start3A_84 : memref<128xi32, #tpu.memory_space<hbm>>) target(%arg13 : memref<128xi32, #tpu.memory_space<vmem>>) target_semaphore(%run_scoped3A : memref<!tpu.dma_semaphore, #tpu.memory_space<semaphore_mem>>)
      %dma_wait3A_85 = tpu.memref_slice %arg4[%add3A_14] : memref<320000xi32, #tpu.memory_space<hbm>> -> memref<128xi32, #tpu.memory_space<hbm>>
      %dma_wait3A_86 = tpu.memref_slice %arg4[%add3A_14] : memref<320000xi32, #tpu.memory_space<hbm>> -> memref<128xi32, #tpu.memory_space<hbm>>
      tpu.wait_dma2 semaphore(%run_scoped3A : memref<!tpu.dma_semaphore, #tpu.memory_space<semaphore_mem>>) src(%dma_wait3A_86 : memref<128xi32, #tpu.memory_space<hbm>>) dst(%arg13 : memref<128xi32, #tpu.memory_space<vmem>>)
      tpu.yield
    }) : () -> ()
    %dma_start3A_15 = arith.constant 0 : i32
    %dma_start3A_16 = arith.constant 0 : i32
    %dma_start3A_17 = tpu.memref_slice %arg2[%dma_start3A_15, %dma_start3A_16] : memref<10000x128xf32, #tpu.memory_space<hbm>> -> memref<10000x128xf32, #tpu.memory_space<hbm>>
    tpu.enqueue_indirect_dma source(%dma_start3A_17 : memref<10000x128xf32, #tpu.memory_space<hbm>>) target(%arg15 : memref<128x128xf32, #tpu.memory_space<vmem>>) offsets(%arg11 : memref<128xi32, #tpu.memory_space<vmem>>) semaphore(%arg21 : memref<!tpu.dma_semaphore, #tpu.memory_space<semaphore_mem>>)
    %barrier3A = arith.constant 0 : index
    tpu.barrier barrier_id(%barrier3A)
    %broadcast_in_dim3A = arith.constant 1.000000e+00 : f32
    %broadcast_in_dim3A_18 = vector.broadcast %broadcast_in_dim3A : f32 to vector<16xf32>
    %scan3A = arith.constant 0 : i32
    %scan3A_19 = arith.constant 0 : i32
    %scan3A_20 = arith.constant 38 : i32
    %scan3A_21 = arith.addi %scan3A_19, %scan3A_20 : i32
    %scan3A_22 = arith.constant 1 : i32
    scf.for %scan3A_83 = %scan3A_19 to %scan3A_21 step %scan3A_22  : i32 {
      %mul3A_84 = arith.constant 2 : i32
      %mul3A_85 = arith.muli %mul3A_84, %scan3A_83 : i32
      %add3A_86 = arith.constant 0 : i32
      %add3A_87 = arith.addi %mul3A_85, %add3A_86 : i32
      %dma_wait3A_88 = arith.constant 0 : i32
      %dma_wait3A_89 = arith.constant 0 : i32
      %dma_wait3A_90 = tpu.memref_slice %arg2[%dma_wait3A_88, %dma_wait3A_89] : memref<10000x128xf32, #tpu.memory_space<hbm>> -> memref<10000x128xf32, #tpu.memory_space<hbm>>
      tpu.wait_indirect_dma semaphore(%arg20 : memref<!tpu.dma_semaphore, #tpu.memory_space<semaphore_mem>>) src(%dma_wait3A_90 : memref<10000x128xf32, #tpu.memory_space<hbm>>) dst(%arg14 : memref<128x128xf32, #tpu.memory_space<vmem>>)
      %dma_start3A_91 = arith.constant 0 : i32
      %dma_start3A_92 = arith.constant 0 : i32
      %dma_start3A_93 = tpu.memref_slice %arg9[%dma_start3A_91, %dma_start3A_92] : memref<10240x128xf32, #tpu.memory_space<vmem_shared>> -> memref<10240x128xf32, #tpu.memory_space<vmem_shared>>
      tpu.enqueue_indirect_dma source(%arg14 : memref<128x128xf32, #tpu.memory_space<vmem>>) target(%dma_start3A_93 : memref<10240x128xf32, #tpu.memory_space<vmem_shared>>) offsets(%arg12 : memref<128xi32, #tpu.memory_space<vmem>>) semaphore(%arg22 : memref<!tpu.dma_semaphore, #tpu.memory_space<semaphore_mem>>) {add = true}
      %add3A_94 = arith.constant 2 : i32
      %add3A_95 = arith.addi %add3A_87, %add3A_94 : i32
      %mul3A_96 = arith.constant 128 : i32
      %mul3A_97 = arith.muli %add3A_95, %mul3A_96 : i32
      %add3A_98 = arith.addi %mul3A_2, %mul3A_97 : i32
      %dma_start3A_99 = tpu.memref_slice %arg3[%add3A_98] : memref<320000xi32, #tpu.memory_space<hbm>> -> memref<128xi32, #tpu.memory_space<hbm>>
      %dma_start3A_100 = tpu.memref_slice %arg3[%add3A_98] : memref<320000xi32, #tpu.memory_space<hbm>> -> memref<128xi32, #tpu.memory_space<hbm>>
      tpu.enqueue_dma source(%dma_start3A_100 : memref<128xi32, #tpu.memory_space<hbm>>) target(%arg10 : memref<128xi32, #tpu.memory_space<vmem>>) target_semaphore(%arg24 : memref<!tpu.dma_semaphore, #tpu.memory_space<semaphore_mem>>)
      %get3A_101 = arith.constant 0 : index
      %get3A_102 = tpu.vector_load %arg12[%get3A_101] {strides = array<i32>} : memref<128xi32, #tpu.memory_space<vmem>>, vector<16xi32>,
      tpu.vector_store_idx %arg19[%get3A_102], %broadcast_in_dim3A_18 {add = true} : memref<10240xf32, #tpu.memory_space<vmem>>[vector<16xi32>], vector<16xf32>,
      %get3A_103 = arith.constant 16 : index
      %get3A_104 = tpu.vector_load %arg12[%get3A_103] {strides = array<i32>} : memref<128xi32, #tpu.memory_space<vmem>>, vector<16xi32>,
      tpu.vector_store_idx %arg19[%get3A_104], %broadcast_in_dim3A_18 {add = true} : memref<10240xf32, #tpu.memory_space<vmem>>[vector<16xi32>], vector<16xf32>,
      %get3A_105 = arith.constant 32 : index
      %get3A_106 = tpu.vector_load %arg12[%get3A_105] {strides = array<i32>} : memref<128xi32, #tpu.memory_space<vmem>>, vector<16xi32>,
      tpu.vector_store_idx %arg19[%get3A_106], %broadcast_in_dim3A_18 {add = true} : memref<10240xf32, #tpu.memory_space<vmem>>[vector<16xi32>], vector<16xf32>,
      %get3A_107 = arith.constant 48 : index
      %get3A_108 = tpu.vector_load %arg12[%get3A_107] {strides = array<i32>} : memref<128xi32, #tpu.memory_space<vmem>>, vector<16xi32>,
      tpu.vector_store_idx %arg19[%get3A_108], %broadcast_in_dim3A_18 {add = true} : memref<10240xf32, #tpu.memory_space<vmem>>[vector<16xi32>], vector<16xf32>,
      %get3A_109 = arith.constant 64 : index
      %get3A_110 = tpu.vector_load %arg12[%get3A_109] {strides = array<i32>} : memref<128xi32, #tpu.memory_space<vmem>>, vector<16xi32>,
      tpu.vector_store_idx %arg19[%get3A_110], %broadcast_in_dim3A_18 {add = true} : memref<10240xf32, #tpu.memory_space<vmem>>[vector<16xi32>], vector<16xf32>,
      %get3A_111 = arith.constant 80 : index
      %get3A_112 = tpu.vector_load %arg12[%get3A_111] {strides = array<i32>} : memref<128xi32, #tpu.memory_space<vmem>>, vector<16xi32>,
      tpu.vector_store_idx %arg19[%get3A_112], %broadcast_in_dim3A_18 {add = true} : memref<10240xf32, #tpu.memory_space<vmem>>[vector<16xi32>], vector<16xf32>,
      %get3A_113 = arith.constant 96 : index
      %get3A_114 = tpu.vector_load %arg12[%get3A_113] {strides = array<i32>} : memref<128xi32, #tpu.memory_space<vmem>>, vector<16xi32>,
      tpu.vector_store_idx %arg19[%get3A_114], %broadcast_in_dim3A_18 {add = true} : memref<10240xf32, #tpu.memory_space<vmem>>[vector<16xi32>], vector<16xf32>,
      %get3A_115 = arith.constant 112 : index
      %get3A_116 = tpu.vector_load %arg12[%get3A_115] {strides = array<i32>} : memref<128xi32, #tpu.memory_space<vmem>>, vector<16xi32>,
      tpu.vector_store_idx %arg19[%get3A_116], %broadcast_in_dim3A_18 {add = true} : memref<10240xf32, #tpu.memory_space<vmem>>[vector<16xi32>], vector<16xf32>,
      %dma_wait3A_117 = arith.constant 0 : i32
      %dma_wait3A_118 = arith.constant 0 : i32
      %dma_wait3A_119 = tpu.memref_slice %arg9[%dma_wait3A_117, %dma_wait3A_118] : memref<10240x128xf32, #tpu.memory_space<vmem_shared>> -> memref<10240x128xf32, #tpu.memory_space<vmem_shared>>
      tpu.wait_indirect_dma semaphore(%arg22 : memref<!tpu.dma_semaphore, #tpu.memory_space<semaphore_mem>>) src(%arg14 : memref<128x128xf32, #tpu.memory_space<vmem>>) dst(%dma_wait3A_119 : memref<10240x128xf32, #tpu.memory_space<vmem_shared>>)
      %add3A_120 = arith.constant 2 : i32
      %add3A_121 = arith.addi %add3A_87, %add3A_120 : i32
      %mul3A_122 = arith.constant 128 : i32
      %mul3A_123 = arith.muli %add3A_121, %mul3A_122 : i32
      %add3A_124 = arith.addi %mul3A_2, %mul3A_123 : i32
      %dma_start3A_125 = tpu.memref_slice %arg4[%add3A_124] : memref<320000xi32, #tpu.memory_space<hbm>> -> memref<128xi32, #tpu.memory_space<hbm>>
      %dma_start3A_126 = tpu.memref_slice %arg4[%add3A_124] : memref<320000xi32, #tpu.memory_space<hbm>> -> memref<128xi32, #tpu.memory_space<hbm>>
      tpu.enqueue_dma source(%dma_start3A_126 : memref<128xi32, #tpu.memory_space<hbm>>) target(%arg12 : memref<128xi32, #tpu.memory_space<vmem>>) target_semaphore(%arg26 : memref<!tpu.dma_semaphore, #tpu.memory_space<semaphore_mem>>)
      %dma_wait3A_127 = tpu.memref_slice %arg3[%add3A_98] : memref<320000xi32, #tpu.memory_space<hbm>> -> memref<128xi32, #tpu.memory_space<hbm>>
      %dma_wait3A_128 = tpu.memref_slice %arg3[%add3A_98] : memref<320000xi32, #tpu.memory_space<hbm>> -> memref<128xi32, #tpu.memory_space<hbm>>
      tpu.wait_dma2 semaphore(%arg24 : memref<!tpu.dma_semaphore, #tpu.memory_space<semaphore_mem>>) src(%dma_wait3A_128 : memref<128xi32, #tpu.memory_space<hbm>>) dst(%arg10 : memref<128xi32, #tpu.memory_space<vmem>>)
      %dma_start3A_129 = arith.constant 0 : i32
      %dma_start3A_130 = arith.constant 0 : i32
      %dma_start3A_131 = tpu.memref_slice %arg2[%dma_start3A_129, %dma_start3A_130] : memref<10000x128xf32, #tpu.memory_space<hbm>> -> memref<10000x128xf32, #tpu.memory_space<hbm>>
      tpu.enqueue_indirect_dma source(%dma_start3A_131 : memref<10000x128xf32, #tpu.memory_space<hbm>>) target(%arg14 : memref<128x128xf32, #tpu.memory_space<vmem>>) offsets(%arg10 : memref<128xi32, #tpu.memory_space<vmem>>) semaphore(%arg20 : memref<!tpu.dma_semaphore, #tpu.memory_space<semaphore_mem>>)
      %dma_wait3A_132 = tpu.memref_slice %arg4[%add3A_124] : memref<320000xi32, #tpu.memory_space<hbm>> -> memref<128xi32, #tpu.memory_space<hbm>>
      %dma_wait3A_133 = tpu.memref_slice %arg4[%add3A_124] : memref<320000xi32, #tpu.memory_space<hbm>> -> memref<128xi32, #tpu.memory_space<hbm>>
      tpu.wait_dma2 semaphore(%arg26 : memref<!tpu.dma_semaphore, #tpu.memory_space<semaphore_mem>>) src(%dma_wait3A_133 : memref<128xi32, #tpu.memory_space<hbm>>) dst(%arg12 : memref<128xi32, #tpu.memory_space<vmem>>)
      %mul3A_134 = arith.constant 2 : i32
      %mul3A_135 = arith.muli %mul3A_134, %scan3A_83 : i32
      %add3A_136 = arith.constant 1 : i32
      %add3A_137 = arith.addi %mul3A_135, %add3A_136 : i32
      %dma_wait3A_138 = arith.constant 0 : i32
      %dma_wait3A_139 = arith.constant 0 : i32
      %dma_wait3A_140 = tpu.memref_slice %arg2[%dma_wait3A_138, %dma_wait3A_139] : memref<10000x128xf32, #tpu.memory_space<hbm>> -> memref<10000x128xf32, #tpu.memory_space<hbm>>
      tpu.wait_indirect_dma semaphore(%arg21 : memref<!tpu.dma_semaphore, #tpu.memory_space<semaphore_mem>>) src(%dma_wait3A_140 : memref<10000x128xf32, #tpu.memory_space<hbm>>) dst(%arg15 : memref<128x128xf32, #tpu.memory_space<vmem>>)
      %dma_start3A_141 = arith.constant 0 : i32
      %dma_start3A_142 = arith.constant 0 : i32
      %dma_start3A_143 = tpu.memref_slice %arg9[%dma_start3A_141, %dma_start3A_142] : memref<10240x128xf32, #tpu.memory_space<vmem_shared>> -> memref<10240x128xf32, #tpu.memory_space<vmem_shared>>
      tpu.enqueue_indirect_dma source(%arg15 : memref<128x128xf32, #tpu.memory_space<vmem>>) target(%dma_start3A_143 : memref<10240x128xf32, #tpu.memory_space<vmem_shared>>) offsets(%arg13 : memref<128xi32, #tpu.memory_space<vmem>>) semaphore(%arg23 : memref<!tpu.dma_semaphore, #tpu.memory_space<semaphore_mem>>) {add = true}
      %add3A_144 = arith.constant 2 : i32
      %add3A_145 = arith.addi %add3A_137, %add3A_144 : i32
      %mul3A_146 = arith.constant 128 : i32
      %mul3A_147 = arith.muli %add3A_145, %mul3A_146 : i32
      %add3A_148 = arith.addi %mul3A_2, %mul3A_147 : i32
      %dma_start3A_149 = tpu.memref_slice %arg3[%add3A_148] : memref<320000xi32, #tpu.memory_space<hbm>> -> memref<128xi32, #tpu.memory_space<hbm>>
      %dma_start3A_150 = tpu.memref_slice %arg3[%add3A_148] : memref<320000xi32, #tpu.memory_space<hbm>> -> memref<128xi32, #tpu.memory_space<hbm>>
      tpu.enqueue_dma source(%dma_start3A_150 : memref<128xi32, #tpu.memory_space<hbm>>) target(%arg11 : memref<128xi32, #tpu.memory_space<vmem>>) target_semaphore(%arg25 : memref<!tpu.dma_semaphore, #tpu.memory_space<semaphore_mem>>)
      %get3A_151 = arith.constant 0 : index
      %get3A_152 = tpu.vector_load %arg13[%get3A_151] {strides = array<i32>} : memref<128xi32, #tpu.memory_space<vmem>>, vector<16xi32>,
      tpu.vector_store_idx %arg19[%get3A_152], %broadcast_in_dim3A_18 {add = true} : memref<10240xf32, #tpu.memory_space<vmem>>[vector<16xi32>], vector<16xf32>,
      %get3A_153 = arith.constant 16 : index
      %get3A_154 = tpu.vector_load %arg13[%get3A_153] {strides = array<i32>} : memref<128xi32, #tpu.memory_space<vmem>>, vector<16xi32>,
      tpu.vector_store_idx %arg19[%get3A_154], %broadcast_in_dim3A_18 {add = true} : memref<10240xf32, #tpu.memory_space<vmem>>[vector<16xi32>], vector<16xf32>,
      %get3A_155 = arith.constant 32 : index
      %get3A_156 = tpu.vector_load %arg13[%get3A_155] {strides = array<i32>} : memref<128xi32, #tpu.memory_space<vmem>>, vector<16xi32>,
      tpu.vector_store_idx %arg19[%get3A_156], %broadcast_in_dim3A_18 {add = true} : memref<10240xf32, #tpu.memory_space<vmem>>[vector<16xi32>], vector<16xf32>,
      %get3A_157 = arith.constant 48 : index
      %get3A_158 = tpu.vector_load %arg13[%get3A_157] {strides = array<i32>} : memref<128xi32, #tpu.memory_space<vmem>>, vector<16xi32>,
      tpu.vector_store_idx %arg19[%get3A_158], %broadcast_in_dim3A_18 {add = true} : memref<10240xf32, #tpu.memory_space<vmem>>[vector<16xi32>], vector<16xf32>,
      %get3A_159 = arith.constant 64 : index
      %get3A_160 = tpu.vector_load %arg13[%get3A_159] {strides = array<i32>} : memref<128xi32, #tpu.memory_space<vmem>>, vector<16xi32>,
      tpu.vector_store_idx %arg19[%get3A_160], %broadcast_in_dim3A_18 {add = true} : memref<10240xf32, #tpu.memory_space<vmem>>[vector<16xi32>], vector<16xf32>,
      %get3A_161 = arith.constant 80 : index
      %get3A_162 = tpu.vector_load %arg13[%get3A_161] {strides = array<i32>} : memref<128xi32, #tpu.memory_space<vmem>>, vector<16xi32>,
      tpu.vector_store_idx %arg19[%get3A_162], %broadcast_in_dim3A_18 {add = true} : memref<10240xf32, #tpu.memory_space<vmem>>[vector<16xi32>], vector<16xf32>,
      %get3A_163 = arith.constant 96 : index
      %get3A_164 = tpu.vector_load %arg13[%get3A_163] {strides = array<i32>} : memref<128xi32, #tpu.memory_space<vmem>>, vector<16xi32>,
      tpu.vector_store_idx %arg19[%get3A_164], %broadcast_in_dim3A_18 {add = true} : memref<10240xf32, #tpu.memory_space<vmem>>[vector<16xi32>], vector<16xf32>,
      %get3A_165 = arith.constant 112 : index
      %get3A_166 = tpu.vector_load %arg13[%get3A_165] {strides = array<i32>} : memref<128xi32, #tpu.memory_space<vmem>>, vector<16xi32>,
      tpu.vector_store_idx %arg19[%get3A_166], %broadcast_in_dim3A_18 {add = true} : memref<10240xf32, #tpu.memory_space<vmem>>[vector<16xi32>], vector<16xf32>,
      %dma_wait3A_167 = arith.constant 0 : i32
      %dma_wait3A_168 = arith.constant 0 : i32
      %dma_wait3A_169 = tpu.memref_slice %arg9[%dma_wait3A_167, %dma_wait3A_168] : memref<10240x128xf32, #tpu.memory_space<vmem_shared>> -> memref<10240x128xf32, #tpu.memory_space<vmem_shared>>
      tpu.wait_indirect_dma semaphore(%arg23 : memref<!tpu.dma_semaphore, #tpu.memory_space<semaphore_mem>>) src(%arg15 : memref<128x128xf32, #tpu.memory_space<vmem>>) dst(%dma_wait3A_169 : memref<10240x128xf32, #tpu.memory_space<vmem_shared>>)
      %add3A_170 = arith.constant 2 : i32
      %add3A_171 = arith.addi %add3A_137, %add3A_170 : i32
      %mul3A_172 = arith.constant 128 : i32
      %mul3A_173 = arith.muli %add3A_171, %mul3A_172 : i32
      %add3A_174 = arith.addi %mul3A_2, %mul3A_173 : i32
      %dma_start3A_175 = tpu.memref_slice %arg4[%add3A_174] : memref<320000xi32, #tpu.memory_space<hbm>> -> memref<128xi32, #tpu.memory_space<hbm>>
      %dma_start3A_176 = tpu.memref_slice %arg4[%add3A_174] : memref<320000xi32, #tpu.memory_space<hbm>> -> memref<128xi32, #tpu.memory_space<hbm>>
      tpu.enqueue_dma source(%dma_start3A_176 : memref<128xi32, #tpu.memory_space<hbm>>) target(%arg13 : memref<128xi32, #tpu.memory_space<vmem>>) target_semaphore(%arg27 : memref<!tpu.dma_semaphore, #tpu.memory_space<semaphore_mem>>)
      %dma_wait3A_177 = tpu.memref_slice %arg3[%add3A_148] : memref<320000xi32, #tpu.memory_space<hbm>> -> memref<128xi32, #tpu.memory_space<hbm>>
      %dma_wait3A_178 = tpu.memref_slice %arg3[%add3A_148] : memref<320000xi32, #tpu.memory_space<hbm>> -> memref<128xi32, #tpu.memory_space<hbm>>
      tpu.wait_dma2 semaphore(%arg25 : memref<!tpu.dma_semaphore, #tpu.memory_space<semaphore_mem>>) src(%dma_wait3A_178 : memref<128xi32, #tpu.memory_space<hbm>>) dst(%arg11 : memref<128xi32, #tpu.memory_space<vmem>>)
      %dma_start3A_179 = arith.constant 0 : i32
      %dma_start3A_180 = arith.constant 0 : i32
      %dma_start3A_181 = tpu.memref_slice %arg2[%dma_start3A_179, %dma_start3A_180] : memref<10000x128xf32, #tpu.memory_space<hbm>> -> memref<10000x128xf32, #tpu.memory_space<hbm>>
      tpu.enqueue_indirect_dma source(%dma_start3A_181 : memref<10000x128xf32, #tpu.memory_space<hbm>>) target(%arg15 : memref<128x128xf32, #tpu.memory_space<vmem>>) offsets(%arg11 : memref<128xi32, #tpu.memory_space<vmem>>) semaphore(%arg21 : memref<!tpu.dma_semaphore, #tpu.memory_space<semaphore_mem>>)
      %dma_wait3A_182 = tpu.memref_slice %arg4[%add3A_174] : memref<320000xi32, #tpu.memory_space<hbm>> -> memref<128xi32, #tpu.memory_space<hbm>>
      %dma_wait3A_183 = tpu.memref_slice %arg4[%add3A_174] : memref<320000xi32, #tpu.memory_space<hbm>> -> memref<128xi32, #tpu.memory_space<hbm>>
      tpu.wait_dma2 semaphore(%arg27 : memref<!tpu.dma_semaphore, #tpu.memory_space<semaphore_mem>>) src(%dma_wait3A_183 : memref<128xi32, #tpu.memory_space<hbm>>) dst(%arg13 : memref<128xi32, #tpu.memory_space<vmem>>)
    }
    %scan3A_23 = arith.constant 38 : i32
    %dma_wait3A = arith.constant 0 : i32
    %dma_wait3A_24 = arith.constant 0 : i32
    %dma_wait3A_25 = tpu.memref_slice %arg2[%dma_wait3A, %dma_wait3A_24] : memref<10000x128xf32, #tpu.memory_space<hbm>> -> memref<10000x128xf32, #tpu.memory_space<hbm>>
    tpu.wait_indirect_dma semaphore(%arg20 : memref<!tpu.dma_semaphore, #tpu.memory_space<semaphore_mem>>) src(%dma_wait3A_25 : memref<10000x128xf32, #tpu.memory_space<hbm>>) dst(%arg14 : memref<128x128xf32, #tpu.memory_space<vmem>>)
    %dma_start3A_26 = arith.constant 0 : i32
    %dma_start3A_27 = arith.constant 0 : i32
    %dma_start3A_28 = tpu.memref_slice %arg9[%dma_start3A_26, %dma_start3A_27] : memref<10240x128xf32, #tpu.memory_space<vmem_shared>> -> memref<10240x128xf32, #tpu.memory_space<vmem_shared>>
    tpu.enqueue_indirect_dma source(%arg14 : memref<128x128xf32, #tpu.memory_space<vmem>>) target(%dma_start3A_28 : memref<10240x128xf32, #tpu.memory_space<vmem_shared>>) offsets(%arg12 : memref<128xi32, #tpu.memory_space<vmem>>) semaphore(%arg22 : memref<!tpu.dma_semaphore, #tpu.memory_space<semaphore_mem>>) {add = true}
    %get3A = arith.constant 0 : index
    %get3A_29 = tpu.vector_load %arg12[%get3A] {strides = array<i32>} : memref<128xi32, #tpu.memory_space<vmem>>, vector<16xi32>,
    tpu.vector_store_idx %arg19[%get3A_29], %broadcast_in_dim3A_18 {add = true} : memref<10240xf32, #tpu.memory_space<vmem>>[vector<16xi32>], vector<16xf32>,
    %get3A_30 = arith.constant 16 : index
    %get3A_31 = tpu.vector_load %arg12[%get3A_30] {strides = array<i32>} : memref<128xi32, #tpu.memory_space<vmem>>, vector<16xi32>,
    tpu.vector_store_idx %arg19[%get3A_31], %broadcast_in_dim3A_18 {add = true} : memref<10240xf32, #tpu.memory_space<vmem>>[vector<16xi32>], vector<16xf32>,
    %get3A_32 = arith.constant 32 : index
    %get3A_33 = tpu.vector_load %arg12[%get3A_32] {strides = array<i32>} : memref<128xi32, #tpu.memory_space<vmem>>, vector<16xi32>,
    tpu.vector_store_idx %arg19[%get3A_33], %broadcast_in_dim3A_18 {add = true} : memref<10240xf32, #tpu.memory_space<vmem>>[vector<16xi32>], vector<16xf32>,
    %get3A_34 = arith.constant 48 : index
    %get3A_35 = tpu.vector_load %arg12[%get3A_34] {strides = array<i32>} : memref<128xi32, #tpu.memory_space<vmem>>, vector<16xi32>,
    tpu.vector_store_idx %arg19[%get3A_35], %broadcast_in_dim3A_18 {add = true} : memref<10240xf32, #tpu.memory_space<vmem>>[vector<16xi32>], vector<16xf32>,
    %get3A_36 = arith.constant 64 : index
    %get3A_37 = tpu.vector_load %arg12[%get3A_36] {strides = array<i32>} : memref<128xi32, #tpu.memory_space<vmem>>, vector<16xi32>,
    tpu.vector_store_idx %arg19[%get3A_37], %broadcast_in_dim3A_18 {add = true} : memref<10240xf32, #tpu.memory_space<vmem>>[vector<16xi32>], vector<16xf32>,
    %get3A_38 = arith.constant 80 : index
    %get3A_39 = tpu.vector_load %arg12[%get3A_38] {strides = array<i32>} : memref<128xi32, #tpu.memory_space<vmem>>, vector<16xi32>,
    tpu.vector_store_idx %arg19[%get3A_39], %broadcast_in_dim3A_18 {add = true} : memref<10240xf32, #tpu.memory_space<vmem>>[vector<16xi32>], vector<16xf32>,
    %get3A_40 = arith.constant 96 : index
    %get3A_41 = tpu.vector_load %arg12[%get3A_40] {strides = array<i32>} : memref<128xi32, #tpu.memory_space<vmem>>, vector<16xi32>,
    tpu.vector_store_idx %arg19[%get3A_41], %broadcast_in_dim3A_18 {add = true} : memref<10240xf32, #tpu.memory_space<vmem>>[vector<16xi32>], vector<16xf32>,
    %get3A_42 = arith.constant 112 : index
    %get3A_43 = tpu.vector_load %arg12[%get3A_42] {strides = array<i32>} : memref<128xi32, #tpu.memory_space<vmem>>, vector<16xi32>,
    tpu.vector_store_idx %arg19[%get3A_43], %broadcast_in_dim3A_18 {add = true} : memref<10240xf32, #tpu.memory_space<vmem>>[vector<16xi32>], vector<16xf32>,
    %dma_wait3A_44 = arith.constant 0 : i32
    %dma_wait3A_45 = arith.constant 0 : i32
    %dma_wait3A_46 = tpu.memref_slice %arg9[%dma_wait3A_44, %dma_wait3A_45] : memref<10240x128xf32, #tpu.memory_space<vmem_shared>> -> memref<10240x128xf32, #tpu.memory_space<vmem_shared>>
    tpu.wait_indirect_dma semaphore(%arg22 : memref<!tpu.dma_semaphore, #tpu.memory_space<semaphore_mem>>) src(%arg14 : memref<128x128xf32, #tpu.memory_space<vmem>>) dst(%dma_wait3A_46 : memref<10240x128xf32, #tpu.memory_space<vmem_shared>>)
    %dma_wait3A_47 = arith.constant 0 : i32
    %dma_wait3A_48 = arith.constant 0 : i32
    %dma_wait3A_49 = tpu.memref_slice %arg2[%dma_wait3A_47, %dma_wait3A_48] : memref<10000x128xf32, #tpu.memory_space<hbm>> -> memref<10000x128xf32, #tpu.memory_space<hbm>>
    tpu.wait_indirect_dma semaphore(%arg21 : memref<!tpu.dma_semaphore, #tpu.memory_space<semaphore_mem>>) src(%dma_wait3A_49 : memref<10000x128xf32, #tpu.memory_space<hbm>>) dst(%arg15 : memref<128x128xf32, #tpu.memory_space<vmem>>)
    %dma_start3A_50 = arith.constant 0 : i32
    %dma_start3A_51 = arith.constant 0 : i32
    %dma_start3A_52 = tpu.memref_slice %arg9[%dma_start3A_50, %dma_start3A_51] : memref<10240x128xf32, #tpu.memory_space<vmem_shared>> -> memref<10240x128xf32, #tpu.memory_space<vmem_shared>>
    tpu.enqueue_indirect_dma source(%arg15 : memref<128x128xf32, #tpu.memory_space<vmem>>) target(%dma_start3A_52 : memref<10240x128xf32, #tpu.memory_space<vmem_shared>>) offsets(%arg13 : memref<128xi32, #tpu.memory_space<vmem>>) semaphore(%arg23 : memref<!tpu.dma_semaphore, #tpu.memory_space<semaphore_mem>>) {add = true}
    %get3A_53 = arith.constant 0 : index
    %get3A_54 = tpu.vector_load %arg13[%get3A_53] {strides = array<i32>} : memref<128xi32, #tpu.memory_space<vmem>>, vector<16xi32>,
    tpu.vector_store_idx %arg19[%get3A_54], %broadcast_in_dim3A_18 {add = true} : memref<10240xf32, #tpu.memory_space<vmem>>[vector<16xi32>], vector<16xf32>,
    %get3A_55 = arith.constant 16 : index
    %get3A_56 = tpu.vector_load %arg13[%get3A_55] {strides = array<i32>} : memref<128xi32, #tpu.memory_space<vmem>>, vector<16xi32>,
    tpu.vector_store_idx %arg19[%get3A_56], %broadcast_in_dim3A_18 {add = true} : memref<10240xf32, #tpu.memory_space<vmem>>[vector<16xi32>], vector<16xf32>,
    %get3A_57 = arith.constant 32 : index
    %get3A_58 = tpu.vector_load %arg13[%get3A_57] {strides = array<i32>} : memref<128xi32, #tpu.memory_space<vmem>>, vector<16xi32>,
    tpu.vector_store_idx %arg19[%get3A_58], %broadcast_in_dim3A_18 {add = true} : memref<10240xf32, #tpu.memory_space<vmem>>[vector<16xi32>], vector<16xf32>,
    %get3A_59 = arith.constant 48 : index
    %get3A_60 = tpu.vector_load %arg13[%get3A_59] {strides = array<i32>} : memref<128xi32, #tpu.memory_space<vmem>>, vector<16xi32>,
    tpu.vector_store_idx %arg19[%get3A_60], %broadcast_in_dim3A_18 {add = true} : memref<10240xf32, #tpu.memory_space<vmem>>[vector<16xi32>], vector<16xf32>,
    %get3A_61 = arith.constant 64 : index
    %get3A_62 = tpu.vector_load %arg13[%get3A_61] {strides = array<i32>} : memref<128xi32, #tpu.memory_space<vmem>>, vector<16xi32>,
    tpu.vector_store_idx %arg19[%get3A_62], %broadcast_in_dim3A_18 {add = true} : memref<10240xf32, #tpu.memory_space<vmem>>[vector<16xi32>], vector<16xf32>,
    %get3A_63 = arith.constant 80 : index
    %get3A_64 = tpu.vector_load %arg13[%get3A_63] {strides = array<i32>} : memref<128xi32, #tpu.memory_space<vmem>>, vector<16xi32>,
    tpu.vector_store_idx %arg19[%get3A_64], %broadcast_in_dim3A_18 {add = true} : memref<10240xf32, #tpu.memory_space<vmem>>[vector<16xi32>], vector<16xf32>,
    %get3A_65 = arith.constant 96 : index
    %get3A_66 = tpu.vector_load %arg13[%get3A_65] {strides = array<i32>} : memref<128xi32, #tpu.memory_space<vmem>>, vector<16xi32>,
    tpu.vector_store_idx %arg19[%get3A_66], %broadcast_in_dim3A_18 {add = true} : memref<10240xf32, #tpu.memory_space<vmem>>[vector<16xi32>], vector<16xf32>,
    %get3A_67 = arith.constant 112 : index
    %get3A_68 = tpu.vector_load %arg13[%get3A_67] {strides = array<i32>} : memref<128xi32, #tpu.memory_space<vmem>>, vector<16xi32>,
    tpu.vector_store_idx %arg19[%get3A_68], %broadcast_in_dim3A_18 {add = true} : memref<10240xf32, #tpu.memory_space<vmem>>[vector<16xi32>], vector<16xf32>,
    %dma_wait3A_69 = arith.constant 0 : i32
    %dma_wait3A_70 = arith.constant 0 : i32
    %dma_wait3A_71 = tpu.memref_slice %arg9[%dma_wait3A_69, %dma_wait3A_70] : memref<10240x128xf32, #tpu.memory_space<vmem_shared>> -> memref<10240x128xf32, #tpu.memory_space<vmem_shared>>
    tpu.wait_indirect_dma semaphore(%arg23 : memref<!tpu.dma_semaphore, #tpu.memory_space<semaphore_mem>>) src(%arg15 : memref<128x128xf32, #tpu.memory_space<vmem>>) dst(%dma_wait3A_71 : memref<10240x128xf32, #tpu.memory_space<vmem_shared>>)
    %add3A_72 = arith.constant 9984 : i32
    %add3A_73 = arith.addi %mul3A_2, %add3A_72 : i32
    "tpu.region"() ({
      %run_scoped3A = tpu.sem_alloc : memref<!tpu.dma_semaphore, #tpu.memory_space<semaphore_mem>>
      %dma_start3A_83 = tpu.memref_slice %arg3[%add3A_73] : memref<320000xi32, #tpu.memory_space<hbm>> -> memref<16xi32, #tpu.memory_space<hbm>>
      %dma_start3A_84 = tpu.memref_slice %arg3[%add3A_73] : memref<320000xi32, #tpu.memory_space<hbm>> -> memref<16xi32, #tpu.memory_space<hbm>>
      tpu.enqueue_dma source(%dma_start3A_84 : memref<16xi32, #tpu.memory_space<hbm>>) target(%arg16 : memref<16xi32, #tpu.memory_space<vmem>>) target_semaphore(%run_scoped3A : memref<!tpu.dma_semaphore, #tpu.memory_space<semaphore_mem>>)
      %dma_wait3A_85 = tpu.memref_slice %arg3[%add3A_73] : memref<320000xi32, #tpu.memory_space<hbm>> -> memref<16xi32, #tpu.memory_space<hbm>>
      %dma_wait3A_86 = tpu.memref_slice %arg3[%add3A_73] : memref<320000xi32, #tpu.memory_space<hbm>> -> memref<16xi32, #tpu.memory_space<hbm>>
      tpu.wait_dma2 semaphore(%run_scoped3A : memref<!tpu.dma_semaphore, #tpu.memory_space<semaphore_mem>>) src(%dma_wait3A_86 : memref<16xi32, #tpu.memory_space<hbm>>) dst(%arg16 : memref<16xi32, #tpu.memory_space<vmem>>)
      tpu.yield
    }) : () -> ()
    "tpu.region"() ({
      %run_scoped3A = tpu.sem_alloc : memref<!tpu.dma_semaphore, #tpu.memory_space<semaphore_mem>>
      %dma_start3A_83 = tpu.memref_slice %arg4[%add3A_73] : memref<320000xi32, #tpu.memory_space<hbm>> -> memref<16xi32, #tpu.memory_space<hbm>>
      %dma_start3A_84 = tpu.memref_slice %arg4[%add3A_73] : memref<320000xi32, #tpu.memory_space<hbm>> -> memref<16xi32, #tpu.memory_space<hbm>>
      tpu.enqueue_dma source(%dma_start3A_84 : memref<16xi32, #tpu.memory_space<hbm>>) target(%arg17 : memref<16xi32, #tpu.memory_space<vmem>>) target_semaphore(%run_scoped3A : memref<!tpu.dma_semaphore, #tpu.memory_space<semaphore_mem>>)
      %dma_wait3A_85 = tpu.memref_slice %arg4[%add3A_73] : memref<320000xi32, #tpu.memory_space<hbm>> -> memref<16xi32, #tpu.memory_space<hbm>>
      %dma_wait3A_86 = tpu.memref_slice %arg4[%add3A_73] : memref<320000xi32, #tpu.memory_space<hbm>> -> memref<16xi32, #tpu.memory_space<hbm>>
      tpu.wait_dma2 semaphore(%run_scoped3A : memref<!tpu.dma_semaphore, #tpu.memory_space<semaphore_mem>>) src(%dma_wait3A_86 : memref<16xi32, #tpu.memory_space<hbm>>) dst(%arg17 : memref<16xi32, #tpu.memory_space<vmem>>)
      tpu.yield
    }) : () -> ()
    %dma_start3A_74 = arith.constant 0 : i32
    %dma_start3A_75 = arith.constant 0 : i32
    %dma_start3A_76 = tpu.memref_slice %arg2[%dma_start3A_74, %dma_start3A_75] : memref<10000x128xf32, #tpu.memory_space<hbm>> -> memref<10000x128xf32, #tpu.memory_space<hbm>>
    tpu.enqueue_indirect_dma source(%dma_start3A_76 : memref<10000x128xf32, #tpu.memory_space<hbm>>) target(%arg18 : memref<16x128xf32, #tpu.memory_space<vmem>>) offsets(%arg16 : memref<16xi32, #tpu.memory_space<vmem>>) semaphore(%arg28 : memref<!tpu.dma_semaphore, #tpu.memory_space<semaphore_mem>>)
    %dma_wait3A_77 = arith.constant 0 : i32
    %dma_wait3A_78 = arith.constant 0 : i32
    %dma_wait3A_79 = tpu.memref_slice %arg2[%dma_wait3A_77, %dma_wait3A_78] : memref<10000x128xf32, #tpu.memory_space<hbm>> -> memref<10000x128xf32, #tpu.memory_space<hbm>>
    tpu.wait_indirect_dma semaphore(%arg28 : memref<!tpu.dma_semaphore, #tpu.memory_space<semaphore_mem>>) src(%dma_wait3A_79 : memref<10000x128xf32, #tpu.memory_space<hbm>>) dst(%arg18 : memref<16x128xf32, #tpu.memory_space<vmem>>)
    "tpu.region"() ({
      %run_scoped3A = tpu.sem_alloc : memref<!tpu.dma_semaphore, #tpu.memory_space<semaphore_mem>>
      %dma_start3A_83 = arith.constant 0 : i32
      %dma_start3A_84 = arith.constant 0 : i32
      %dma_start3A_85 = tpu.memref_slice %arg9[%dma_start3A_83, %dma_start3A_84] : memref<10240x128xf32, #tpu.memory_space<vmem_shared>> -> memref<10240x128xf32, #tpu.memory_space<vmem_shared>>
      tpu.enqueue_indirect_dma source(%arg18 : memref<16x128xf32, #tpu.memory_space<vmem>>) target(%dma_start3A_85 : memref<10240x128xf32, #tpu.memory_space<vmem_shared>>) offsets(%arg17 : memref<16xi32, #tpu.memory_space<vmem>>) semaphore(%run_scoped3A : memref<!tpu.dma_semaphore, #tpu.memory_space<semaphore_mem>>) {add = true}
      %dma_wait3A_86 = arith.constant 0 : i32
      %dma_wait3A_87 = arith.constant 0 : i32
      %dma_wait3A_88 = tpu.memref_slice %arg9[%dma_wait3A_86, %dma_wait3A_87] : memref<10240x128xf32, #tpu.memory_space<vmem_shared>> -> memref<10240x128xf32, #tpu.memory_space<vmem_shared>>
      tpu.wait_indirect_dma semaphore(%run_scoped3A : memref<!tpu.dma_semaphore, #tpu.memory_space<semaphore_mem>>) src(%arg18 : memref<16x128xf32, #tpu.memory_space<vmem>>) dst(%dma_wait3A_88 : memref<10240x128xf32, #tpu.memory_space<vmem_shared>>)
      tpu.yield
    }) : () -> ()
    %get3A_80 = arith.constant 0 : index
    %get3A_81 = tpu.vector_load %arg17[%get3A_80] {strides = array<i32>} : memref<16xi32, #tpu.memory_space<vmem>>, vector<16xi32>,
    tpu.vector_store_idx %arg19[%get3A_81], %broadcast_in_dim3A_18 {add = true} : memref<10240xf32, #tpu.memory_space<vmem>>[vector<16xi32>], vector<16xf32>,
    %barrier3A_82 = arith.constant 0 : index
    tpu.barrier barrier_id(%barrier3A_82)
    "tpu.region"() ({
      %run_scoped3A = tpu.sem_alloc : memref<!tpu.dma_semaphore, #tpu.memory_space<semaphore_mem>>
      %dma_start3A_83 = arith.constant 0 : i32
      %dma_start3A_84 = tpu.memref_slice %arg7[%arg0, %mul3A_4, %dma_start3A_83] : memref<2x10240x128xf32, #tpu.memory_space<hbm>> -> memref<1x640x128xf32, #tpu.memory_space<hbm>>
      %dma_start3A_85 = tpu.memref_squeeze %dma_start3A_84 : memref<1x640x128xf32, #tpu.memory_space<hbm>> -> memref<640x128xf32, #tpu.memory_space<hbm>>
      %dma_start3A_86 = arith.constant 0 : i32
      %dma_start3A_87 = tpu.memref_slice %arg9[%mul3A_4, %dma_start3A_86] : memref<10240x128xf32, #tpu.memory_space<vmem_shared>> -> memref<640x128xf32, #tpu.memory_space<vmem_shared>>
      tpu.enqueue_dma source(%dma_start3A_87 : memref<640x128xf32, #tpu.memory_space<vmem_shared>>) target(%dma_start3A_85 : memref<640x128xf32, #tpu.memory_space<hbm>>) target_semaphore(%run_scoped3A : memref<!tpu.dma_semaphore, #tpu.memory_space<semaphore_mem>>)
      %dma_wait3A_88 = arith.constant 0 : i32
      %dma_wait3A_89 = tpu.memref_slice %arg7[%arg0, %mul3A_4, %dma_wait3A_88] : memref<2x10240x128xf32, #tpu.memory_space<hbm>> -> memref<1x640x128xf32, #tpu.memory_space<hbm>>
      %dma_wait3A_90 = tpu.memref_squeeze %dma_wait3A_89 : memref<1x640x128xf32, #tpu.memory_space<hbm>> -> memref<640x128xf32, #tpu.memory_space<hbm>>
      %dma_wait3A_91 = arith.constant 0 : i32
      %dma_wait3A_92 = tpu.memref_slice %arg9[%mul3A_4, %dma_wait3A_91] : memref<10240x128xf32, #tpu.memory_space<vmem_shared>> -> memref<640x128xf32, #tpu.memory_space<vmem_shared>>
      tpu.wait_dma2 semaphore(%run_scoped3A : memref<!tpu.dma_semaphore, #tpu.memory_space<semaphore_mem>>) src(%dma_wait3A_92 : memref<640x128xf32, #tpu.memory_space<vmem_shared>>) dst(%dma_wait3A_90 : memref<640x128xf32, #tpu.memory_space<hbm>>)
      tpu.yield
    }) : () -> ()
    "tpu.region"() ({
      %run_scoped3A = tpu.sem_alloc : memref<!tpu.dma_semaphore, #tpu.memory_space<semaphore_mem>>
      %dma_start3A_83 = arith.constant 0 : i32
      %dma_start3A_84 = tpu.memref_slice %arg8[%add3A, %dma_start3A_83] : memref<32x10240xf32, #tpu.memory_space<hbm>> -> memref<1x10240xf32, #tpu.memory_space<hbm>>
      %dma_start3A_85 = tpu.memref_squeeze %dma_start3A_84 : memref<1x10240xf32, #tpu.memory_space<hbm>> -> memref<10240xf32, #tpu.memory_space<hbm>>
      %dma_start3A_86 = arith.constant 0 : i32
      %dma_start3A_87 = tpu.memref_slice %arg8[%add3A, %dma_start3A_86] : memref<32x10240xf32, #tpu.memory_space<hbm>> -> memref<1x10240xf32, #tpu.memory_space<hbm>>
      %dma_start3A_88 = tpu.memref_squeeze %dma_start3A_87 : memref<1x10240xf32, #tpu.memory_space<hbm>> -> memref<10240xf32, #tpu.memory_space<hbm>>
      tpu.enqueue_dma source(%arg19 : memref<10240xf32, #tpu.memory_space<vmem>>) target(%dma_start3A_88 : memref<10240xf32, #tpu.memory_space<hbm>>) target_semaphore(%run_scoped3A : memref<!tpu.dma_semaphore, #tpu.memory_space<semaphore_mem>>)
      %dma_wait3A_89 = arith.constant 0 : i32
      %dma_wait3A_90 = tpu.memref_slice %arg8[%add3A, %dma_wait3A_89] : memref<32x10240xf32, #tpu.memory_space<hbm>> -> memref<1x10240xf32, #tpu.memory_space<hbm>>
      %dma_wait3A_91 = tpu.memref_squeeze %dma_wait3A_90 : memref<1x10240xf32, #tpu.memory_space<hbm>> -> memref<10240xf32, #tpu.memory_space<hbm>>
      %dma_wait3A_92 = arith.constant 0 : i32
      %dma_wait3A_93 = tpu.memref_slice %arg8[%add3A, %dma_wait3A_92] : memref<32x10240xf32, #tpu.memory_space<hbm>> -> memref<1x10240xf32, #tpu.memory_space<hbm>>
      %dma_wait3A_94 = tpu.memref_squeeze %dma_wait3A_93 : memref<1x10240xf32, #tpu.memory_space<hbm>> -> memref<10240xf32, #tpu.memory_space<hbm>>
      tpu.wait_dma2 semaphore(%run_scoped3A : memref<!tpu.dma_semaphore, #tpu.memory_space<semaphore_mem>>) src(%arg19 : memref<10240xf32, #tpu.memory_space<vmem>>) dst(%dma_wait3A_94 : memref<10240xf32, #tpu.memory_space<hbm>>)
      tpu.yield
    }) : () -> ()
    return
  }
}

module attributes {stable_mosaic.version = 14 : i64} {
  func.func @_tc_body(%arg0: i32, %arg1: memref<1024x128xf32, #tpu.memory_space<vmem>>, %arg2: memref<2x1024x128xf32, #tpu.memory_space<vmem>>, %arg3: memref<32x1024xf32, #tpu.memory_space<vmem>>, %arg4: memref<1x1x1024xi32, #tpu.memory_space<vmem>>, %arg5: memref<128x128xf32, #tpu.memory_space<vmem>>, %arg6: memref<128x128xf32, #tpu.memory_space<vmem>>, %arg7: memref<128x128xf32, #tpu.memory_space<vmem>>, %arg8: memref<128x128xf32, #tpu.memory_space<vmem>>, %arg9: memref<1x128xf32, #tpu.memory_space<vmem>>, %arg10: memref<1x128xf32, #tpu.memory_space<vmem>>, %arg11: memref<1x128xf32, #tpu.memory_space<vmem>>, %arg12: memref<16x128xf32, #tpu.memory_space<vmem>>, %arg13: memref<128x128xf32, #tpu.memory_space<vmem>>, %arg14: memref<128x128xf32, #tpu.memory_space<vmem>>) attributes {dimension_semantics = [#tpu.dimension_semantics<arbitrary>], iteration_bounds = array<i64: 10>, scalar_prefetch = 0 : i64, scratch_operands = 2 : i64, tpu.core_type = #tpu.core_type<tc>, window_params = [{transform_indices = @transform_0, window_bounds = array<i64: 1024, 128>}, {transform_indices = @transform_1, window_bounds = array<i64: 2, 1024, 128>}, {transform_indices = @transform_2, window_bounds = array<i64: 32, 1024>}, {transform_indices = @transform_3, window_bounds = array<i64: 1, 1, 1024>}, {pipeline_mode = #tpu.pipeline_mode<synchronous>, transform_indices = @transform_4, window_bounds = array<i64: 128, 128>}, {pipeline_mode = #tpu.pipeline_mode<synchronous>, transform_indices = @transform_5, window_bounds = array<i64: 128, 128>}, {pipeline_mode = #tpu.pipeline_mode<synchronous>, transform_indices = @transform_6, window_bounds = array<i64: 128, 128>}, {pipeline_mode = #tpu.pipeline_mode<synchronous>, transform_indices = @transform_7, window_bounds = array<i64: 128, 128>}, {pipeline_mode = #tpu.pipeline_mode<synchronous>, transform_indices = @transform_8, window_bounds = array<i64: 1, 128>}, {pipeline_mode = #tpu.pipeline_mode<synchronous>, transform_indices = @transform_9, window_bounds = array<i64: 1, 128>}, {pipeline_mode = #tpu.pipeline_mode<synchronous>, transform_indices = @transform_10, window_bounds = array<i64: 1, 128>}, {pipeline_mode = #tpu.pipeline_mode<synchronous>, transform_indices = @transform_11, window_bounds = array<i64: 16, 128>}]} {
    %eq3A = arith.constant 0 : i32
    %eq3A_0 = arith.cmpi eq, %arg0, %eq3A : i32
    %convert_element_type3A = arith.extui %eq3A_0 : i1 to i32
    %cond3A = arith.constant 0 : i32
    %cond3A_1 = arith.cmpi ne, %convert_element_type3A, %cond3A : i32
    scf.if %cond3A_1 {
      %broadcast_in_dim3A_144 = arith.constant 0.000000e+00 : f32
      %broadcast_in_dim3A_145 = vector.broadcast %broadcast_in_dim3A_144 : f32 to vector<128x128xf32>
      %swap3A_146 = arith.constant 0 : index
      %swap3A_147 = arith.constant 0 : index
      %swap3A_148 = vector.load %arg13[%swap3A_146, %swap3A_147] : memref<128x128xf32, #tpu.memory_space<vmem>>, vector<128x128xf32>
      tpu.vector_store %arg13[%swap3A_146, %swap3A_147], %broadcast_in_dim3A_145 {strides = array<i32>} : memref<128x128xf32, #tpu.memory_space<vmem>>, vector<128x128xf32>,
      %broadcast_in_dim3A_149 = arith.constant 0.000000e+00 : f32
      %broadcast_in_dim3A_150 = vector.broadcast %broadcast_in_dim3A_149 : f32 to vector<128x128xf32>
      %swap3A_151 = arith.constant 0 : index
      %swap3A_152 = arith.constant 0 : index
      %swap3A_153 = vector.load %arg14[%swap3A_151, %swap3A_152] : memref<128x128xf32, #tpu.memory_space<vmem>>, vector<128x128xf32>
      tpu.vector_store %arg14[%swap3A_151, %swap3A_152], %broadcast_in_dim3A_150 {strides = array<i32>} : memref<128x128xf32, #tpu.memory_space<vmem>>, vector<128x128xf32>,
    } else {
    }
    %get3A = arith.constant 0 : index
    %get3A_2 = arith.constant 0 : index
    %get3A_3 = arith.constant 0 : index
    %get3A_4 = vector.load %arg2[%get3A, %get3A_2, %get3A_3] : memref<2x1024x128xf32, #tpu.memory_space<vmem>>, vector<1x1024x128xf32>
    %get3A_5 = vector.shape_cast %get3A_4 : vector<1x1024x128xf32> to vector<1024x128xf32>
    %get3A_6 = arith.constant 1 : index
    %get3A_7 = arith.constant 0 : index
    %get3A_8 = arith.constant 0 : index
    %get3A_9 = vector.load %arg2[%get3A_6, %get3A_7, %get3A_8] : memref<2x1024x128xf32, #tpu.memory_space<vmem>>, vector<1x1024x128xf32>
    %get3A_10 = vector.shape_cast %get3A_9 : vector<1x1024x128xf32> to vector<1024x128xf32>
    %add3A = arith.addf %get3A_5, %get3A_10 : vector<1024x128xf32>
    %get3A_11 = arith.constant 0 : index
    %get3A_12 = arith.constant 0 : index
    %get3A_13 = vector.load %arg3[%get3A_11, %get3A_12] : memref<32x1024xf32, #tpu.memory_space<vmem>>, vector<32x1024xf32>
    %reduce_sum3A = arith.constant dense<0.000000e+00> : vector<1024xf32>
    %reduce_sum3A_14 = vector.multi_reduction <add>, %get3A_13, %reduce_sum3A [0] : vector<32x1024xf32> to vector<1024xf32>
    %max3A = arith.constant 1.000000e+00 : f32
    %max3A_15 = vector.broadcast %max3A : f32 to vector<1024xf32>
    %max3A_16 = arith.maximumf %reduce_sum3A_14, %max3A_15 : vector<1024xf32>
    %div3A = arith.constant 1.000000e+00 : f32
    %div3A_17 = vector.broadcast %div3A : f32 to vector<1024xf32>
    %div3A_18 = arith.divf %div3A_17, %max3A_16 : vector<1024xf32>
    %reshape3A = vector.shape_cast %div3A_18 : vector<1024xf32> to vector<8x128xf32>
    %iota3A = tpu.iota {dimensions = array<i32: 0>} : vector<128x128xi32>
    %iota3A_19 = tpu.iota {dimensions = array<i32: 1>} : vector<128x128xi32>
    %eq3A_20 = arith.cmpi eq, %iota3A, %iota3A_19 : vector<128x128xi32>
    %slice3A = vector.extract_strided_slice %reshape3A {offsets = [0, 0], sizes = [1, 128], strides = [1, 1]} : vector<8x128xf32> to vector<1x128xf32>
    %jit3A = arith.constant 0.000000e+00 : f32
    %broadcast_in_dim3A = vector.shape_cast %slice3A : vector<1x128xf32> to vector<1x128xf32>
    %broadcast_in_dim3A_21 = vector.broadcast %broadcast_in_dim3A : vector<1x128xf32> to vector<128x128xf32>
    %broadcast_in_dim3A_22 = vector.broadcast %jit3A : f32 to vector<128x128xf32>
    %select_n3A = arith.select %eq3A_20, %broadcast_in_dim3A_21, %broadcast_in_dim3A_22 : vector<128x128xi1>, vector<128x128xf32>
    %slice3A_23 = vector.extract_strided_slice %add3A {offsets = [0, 0], sizes = [128, 128], strides = [1, 1]} : vector<1024x128xf32> to vector<128x128xf32>
    %dot_general3A = arith.constant dense<0.000000e+00> : vector<128x128xf32>
    %dot_general3A_24 = tpu.matmul %select_n3A, %slice3A_23, %dot_general3A {dimension_numbers = #tpu.dot_dimension_numbers<[1], [0], [0], [1], [0, 0, 1, 1], [], []>, transpose_lhs_hint = false} : vector<128x128xf32>, vector<128x128xf32>, vector<128x128xf32> -> vector<128x128xf32>
    %slice3A_25 = vector.extract_strided_slice %reshape3A {offsets = [1, 0], sizes = [1, 128], strides = [1, 1]} : vector<8x128xf32> to vector<1x128xf32>
    %jit3A_26 = arith.constant 0.000000e+00 : f32
    %broadcast_in_dim3A_27 = vector.shape_cast %slice3A_25 : vector<1x128xf32> to vector<1x128xf32>
    %broadcast_in_dim3A_28 = vector.broadcast %broadcast_in_dim3A_27 : vector<1x128xf32> to vector<128x128xf32>
    %broadcast_in_dim3A_29 = vector.broadcast %jit3A_26 : f32 to vector<128x128xf32>
    %select_n3A_30 = arith.select %eq3A_20, %broadcast_in_dim3A_28, %broadcast_in_dim3A_29 : vector<128x128xi1>, vector<128x128xf32>
    %slice3A_31 = vector.extract_strided_slice %add3A {offsets = [128, 0], sizes = [128, 128], strides = [1, 1]} : vector<1024x128xf32> to vector<128x128xf32>
    %dot_general3A_32 = arith.constant dense<0.000000e+00> : vector<128x128xf32>
    %dot_general3A_33 = tpu.matmul %select_n3A_30, %slice3A_31, %dot_general3A_32 {dimension_numbers = #tpu.dot_dimension_numbers<[1], [0], [0], [1], [0, 0, 1, 1], [], []>, transpose_lhs_hint = false} : vector<128x128xf32>, vector<128x128xf32>, vector<128x128xf32> -> vector<128x128xf32>
    %slice3A_34 = vector.extract_strided_slice %reshape3A {offsets = [2, 0], sizes = [1, 128], strides = [1, 1]} : vector<8x128xf32> to vector<1x128xf32>
    %jit3A_35 = arith.constant 0.000000e+00 : f32
    %broadcast_in_dim3A_36 = vector.shape_cast %slice3A_34 : vector<1x128xf32> to vector<1x128xf32>
    %broadcast_in_dim3A_37 = vector.broadcast %broadcast_in_dim3A_36 : vector<1x128xf32> to vector<128x128xf32>
    %broadcast_in_dim3A_38 = vector.broadcast %jit3A_35 : f32 to vector<128x128xf32>
    %select_n3A_39 = arith.select %eq3A_20, %broadcast_in_dim3A_37, %broadcast_in_dim3A_38 : vector<128x128xi1>, vector<128x128xf32>
    %slice3A_40 = vector.extract_strided_slice %add3A {offsets = [256, 0], sizes = [128, 128], strides = [1, 1]} : vector<1024x128xf32> to vector<128x128xf32>
    %dot_general3A_41 = arith.constant dense<0.000000e+00> : vector<128x128xf32>
    %dot_general3A_42 = tpu.matmul %select_n3A_39, %slice3A_40, %dot_general3A_41 {dimension_numbers = #tpu.dot_dimension_numbers<[1], [0], [0], [1], [0, 0, 1, 1], [], []>, transpose_lhs_hint = false} : vector<128x128xf32>, vector<128x128xf32>, vector<128x128xf32> -> vector<128x128xf32>
    %slice3A_43 = vector.extract_strided_slice %reshape3A {offsets = [3, 0], sizes = [1, 128], strides = [1, 1]} : vector<8x128xf32> to vector<1x128xf32>
    %jit3A_44 = arith.constant 0.000000e+00 : f32
    %broadcast_in_dim3A_45 = vector.shape_cast %slice3A_43 : vector<1x128xf32> to vector<1x128xf32>
    %broadcast_in_dim3A_46 = vector.broadcast %broadcast_in_dim3A_45 : vector<1x128xf32> to vector<128x128xf32>
    %broadcast_in_dim3A_47 = vector.broadcast %jit3A_44 : f32 to vector<128x128xf32>
    %select_n3A_48 = arith.select %eq3A_20, %broadcast_in_dim3A_46, %broadcast_in_dim3A_47 : vector<128x128xi1>, vector<128x128xf32>
    %slice3A_49 = vector.extract_strided_slice %add3A {offsets = [384, 0], sizes = [128, 128], strides = [1, 1]} : vector<1024x128xf32> to vector<128x128xf32>
    %dot_general3A_50 = arith.constant dense<0.000000e+00> : vector<128x128xf32>
    %dot_general3A_51 = tpu.matmul %select_n3A_48, %slice3A_49, %dot_general3A_50 {dimension_numbers = #tpu.dot_dimension_numbers<[1], [0], [0], [1], [0, 0, 1, 1], [], []>, transpose_lhs_hint = false} : vector<128x128xf32>, vector<128x128xf32>, vector<128x128xf32> -> vector<128x128xf32>
    %slice3A_52 = vector.extract_strided_slice %reshape3A {offsets = [4, 0], sizes = [1, 128], strides = [1, 1]} : vector<8x128xf32> to vector<1x128xf32>
    %jit3A_53 = arith.constant 0.000000e+00 : f32
    %broadcast_in_dim3A_54 = vector.shape_cast %slice3A_52 : vector<1x128xf32> to vector<1x128xf32>
    %broadcast_in_dim3A_55 = vector.broadcast %broadcast_in_dim3A_54 : vector<1x128xf32> to vector<128x128xf32>
    %broadcast_in_dim3A_56 = vector.broadcast %jit3A_53 : f32 to vector<128x128xf32>
    %select_n3A_57 = arith.select %eq3A_20, %broadcast_in_dim3A_55, %broadcast_in_dim3A_56 : vector<128x128xi1>, vector<128x128xf32>
    %slice3A_58 = vector.extract_strided_slice %add3A {offsets = [512, 0], sizes = [128, 128], strides = [1, 1]} : vector<1024x128xf32> to vector<128x128xf32>
    %dot_general3A_59 = arith.constant dense<0.000000e+00> : vector<128x128xf32>
    %dot_general3A_60 = tpu.matmul %select_n3A_57, %slice3A_58, %dot_general3A_59 {dimension_numbers = #tpu.dot_dimension_numbers<[1], [0], [0], [1], [0, 0, 1, 1], [], []>, transpose_lhs_hint = false} : vector<128x128xf32>, vector<128x128xf32>, vector<128x128xf32> -> vector<128x128xf32>
    %slice3A_61 = vector.extract_strided_slice %reshape3A {offsets = [5, 0], sizes = [1, 128], strides = [1, 1]} : vector<8x128xf32> to vector<1x128xf32>
    %jit3A_62 = arith.constant 0.000000e+00 : f32
    %broadcast_in_dim3A_63 = vector.shape_cast %slice3A_61 : vector<1x128xf32> to vector<1x128xf32>
    %broadcast_in_dim3A_64 = vector.broadcast %broadcast_in_dim3A_63 : vector<1x128xf32> to vector<128x128xf32>
    %broadcast_in_dim3A_65 = vector.broadcast %jit3A_62 : f32 to vector<128x128xf32>
    %select_n3A_66 = arith.select %eq3A_20, %broadcast_in_dim3A_64, %broadcast_in_dim3A_65 : vector<128x128xi1>, vector<128x128xf32>
    %slice3A_67 = vector.extract_strided_slice %add3A {offsets = [640, 0], sizes = [128, 128], strides = [1, 1]} : vector<1024x128xf32> to vector<128x128xf32>
    %dot_general3A_68 = arith.constant dense<0.000000e+00> : vector<128x128xf32>
    %dot_general3A_69 = tpu.matmul %select_n3A_66, %slice3A_67, %dot_general3A_68 {dimension_numbers = #tpu.dot_dimension_numbers<[1], [0], [0], [1], [0, 0, 1, 1], [], []>, transpose_lhs_hint = false} : vector<128x128xf32>, vector<128x128xf32>, vector<128x128xf32> -> vector<128x128xf32>
    %slice3A_70 = vector.extract_strided_slice %reshape3A {offsets = [6, 0], sizes = [1, 128], strides = [1, 1]} : vector<8x128xf32> to vector<1x128xf32>
    %jit3A_71 = arith.constant 0.000000e+00 : f32
    %broadcast_in_dim3A_72 = vector.shape_cast %slice3A_70 : vector<1x128xf32> to vector<1x128xf32>
    %broadcast_in_dim3A_73 = vector.broadcast %broadcast_in_dim3A_72 : vector<1x128xf32> to vector<128x128xf32>
    %broadcast_in_dim3A_74 = vector.broadcast %jit3A_71 : f32 to vector<128x128xf32>
    %select_n3A_75 = arith.select %eq3A_20, %broadcast_in_dim3A_73, %broadcast_in_dim3A_74 : vector<128x128xi1>, vector<128x128xf32>
    %slice3A_76 = vector.extract_strided_slice %add3A {offsets = [768, 0], sizes = [128, 128], strides = [1, 1]} : vector<1024x128xf32> to vector<128x128xf32>
    %dot_general3A_77 = arith.constant dense<0.000000e+00> : vector<128x128xf32>
    %dot_general3A_78 = tpu.matmul %select_n3A_75, %slice3A_76, %dot_general3A_77 {dimension_numbers = #tpu.dot_dimension_numbers<[1], [0], [0], [1], [0, 0, 1, 1], [], []>, transpose_lhs_hint = false} : vector<128x128xf32>, vector<128x128xf32>, vector<128x128xf32> -> vector<128x128xf32>
    %slice3A_79 = vector.extract_strided_slice %reshape3A {offsets = [7, 0], sizes = [1, 128], strides = [1, 1]} : vector<8x128xf32> to vector<1x128xf32>
    %jit3A_80 = arith.constant 0.000000e+00 : f32
    %broadcast_in_dim3A_81 = vector.shape_cast %slice3A_79 : vector<1x128xf32> to vector<1x128xf32>
    %broadcast_in_dim3A_82 = vector.broadcast %broadcast_in_dim3A_81 : vector<1x128xf32> to vector<128x128xf32>
    %broadcast_in_dim3A_83 = vector.broadcast %jit3A_80 : f32 to vector<128x128xf32>
    %select_n3A_84 = arith.select %eq3A_20, %broadcast_in_dim3A_82, %broadcast_in_dim3A_83 : vector<128x128xi1>, vector<128x128xf32>
    %slice3A_85 = vector.extract_strided_slice %add3A {offsets = [896, 0], sizes = [128, 128], strides = [1, 1]} : vector<1024x128xf32> to vector<128x128xf32>
    %dot_general3A_86 = arith.constant dense<0.000000e+00> : vector<128x128xf32>
    %dot_general3A_87 = tpu.matmul %select_n3A_84, %slice3A_85, %dot_general3A_86 {dimension_numbers = #tpu.dot_dimension_numbers<[1], [0], [0], [1], [0, 0, 1, 1], [], []>, transpose_lhs_hint = false} : vector<128x128xf32>, vector<128x128xf32>, vector<128x128xf32> -> vector<128x128xf32>
    %concatenate3A = tpu.concatenate %dot_general3A_24, %dot_general3A_33, %dot_general3A_42, %dot_general3A_51, %dot_general3A_60, %dot_general3A_69, %dot_general3A_78, %dot_general3A_87 in 0 : vector<128x128xf32>, vector<128x128xf32>, vector<128x128xf32>, vector<128x128xf32>, vector<128x128xf32>, vector<128x128xf32>, vector<128x128xf32>, vector<128x128xf32> -> vector<1024x128xf32>
    %get3A_88 = arith.constant 0 : index
    %get3A_89 = arith.constant 0 : index
    %get3A_90 = vector.load %arg1[%get3A_88, %get3A_89] : memref<1024x128xf32, #tpu.memory_space<vmem>>, vector<1024x128xf32>
    %get3A_91 = arith.constant 0 : index
    %get3A_92 = arith.constant 0 : index
    %get3A_93 = vector.load %arg5[%get3A_91, %get3A_92] : memref<128x128xf32, #tpu.memory_space<vmem>>, vector<128x128xf32>
    %dot_general3A_94 = arith.constant dense<0.000000e+00> : vector<1024x128xf32>
    %dot_general3A_95 = tpu.matmul %get3A_90, %get3A_93, %dot_general3A_94 {dimension_numbers = #tpu.dot_dimension_numbers<[1], [0], [0], [1], [0, 0, 1, 1], [], []>, transpose_lhs_hint = false} : vector<1024x128xf32>, vector<128x128xf32>, vector<1024x128xf32> -> vector<1024x128xf32>
    %get3A_96 = arith.constant 0 : index
    %get3A_97 = arith.constant 0 : index
    %get3A_98 = vector.load %arg6[%get3A_96, %get3A_97] : memref<128x128xf32, #tpu.memory_space<vmem>>, vector<128x128xf32>
    %dot_general3A_99 = arith.constant dense<0.000000e+00> : vector<1024x128xf32>
    %dot_general3A_100 = tpu.matmul %concatenate3A, %get3A_98, %dot_general3A_99 {dimension_numbers = #tpu.dot_dimension_numbers<[1], [0], [0], [1], [0, 0, 1, 1], [], []>, transpose_lhs_hint = false} : vector<1024x128xf32>, vector<128x128xf32>, vector<1024x128xf32> -> vector<1024x128xf32>
    %add3A_101 = arith.addf %dot_general3A_95, %dot_general3A_100 : vector<1024x128xf32>
    %get3A_102 = arith.constant 0 : index
    %get3A_103 = arith.constant 0 : index
    %get3A_104 = vector.load %arg9[%get3A_102, %get3A_103] : memref<1x128xf32, #tpu.memory_space<vmem>>, vector<1x128xf32>
    %add3A_105 = vector.broadcast %get3A_104 : vector<1x128xf32> to vector<1024x128xf32>
    %add3A_106 = arith.addf %add3A_101, %add3A_105 : vector<1024x128xf32>
    %max3A_107 = arith.constant 0.000000e+00 : f32
    %max3A_108 = vector.broadcast %max3A_107 : f32 to vector<1024x128xf32>
    %max3A_109 = arith.maximumf %add3A_106, %max3A_108 : vector<1024x128xf32>
    %get3A_110 = arith.constant 0 : index
    %get3A_111 = arith.constant 0 : index
    %get3A_112 = arith.constant 0 : index
    %get3A_113 = vector.load %arg4[%get3A_110, %get3A_111, %get3A_112] : memref<1x1x1024xi32, #tpu.memory_space<vmem>>, vector<1x1x1024xi32>
    %get3A_114 = vector.shape_cast %get3A_113 : vector<1x1x1024xi32> to vector<1x1024xi32>
    %iota3A_115 = tpu.iota {dimensions = array<i32: 0>} : vector<128x1024xi32>
    %eq3A_116 = vector.broadcast %get3A_114 : vector<1x1024xi32> to vector<128x1024xi32>
    %eq3A_117 = arith.cmpi eq, %iota3A_115, %eq3A_116 : vector<128x1024xi32>
    %convert_element_type3A_118 = arith.extui %eq3A_117 : vector<128x1024xi1> to vector<128x1024xi32>
    %convert_element_type3A_119 = arith.sitofp %convert_element_type3A_118 : vector<128x1024xi32> to vector<128x1024xf32>
    %get3A_120 = arith.constant 0 : index
    %get3A_121 = arith.constant 0 : index
    %get3A_122 = vector.load %arg13[%get3A_120, %get3A_121] : memref<128x128xf32, #tpu.memory_space<vmem>>, vector<128x128xf32>
    %dot_general3A_123 = arith.constant dense<0.000000e+00> : vector<128x128xf32>
    %dot_general3A_124 = tpu.matmul %convert_element_type3A_119, %max3A_109, %dot_general3A_123 {dimension_numbers = #tpu.dot_dimension_numbers<[1], [0], [0], [1], [0, 0, 1, 1], [], []>, transpose_lhs_hint = false} : vector<128x1024xf32>, vector<1024x128xf32>, vector<128x128xf32> -> vector<128x128xf32>
    %add3A_125 = arith.addf %get3A_122, %dot_general3A_124 : vector<128x128xf32>
    %swap3A = arith.constant 0 : index
    %swap3A_126 = arith.constant 0 : index
    %swap3A_127 = vector.load %arg13[%swap3A, %swap3A_126] : memref<128x128xf32, #tpu.memory_space<vmem>>, vector<128x128xf32>
    tpu.vector_store %arg13[%swap3A, %swap3A_126], %add3A_125 {strides = array<i32>} : memref<128x128xf32, #tpu.memory_space<vmem>>, vector<128x128xf32>,
    %get3A_128 = arith.constant 0 : index
    %get3A_129 = arith.constant 0 : index
    %get3A_130 = vector.load %arg14[%get3A_128, %get3A_129] : memref<128x128xf32, #tpu.memory_space<vmem>>, vector<128x128xf32>
    %broadcast_in_dim3A_131 = arith.constant 1.000000e+00 : f32
    %broadcast_in_dim3A_132 = vector.broadcast %broadcast_in_dim3A_131 : f32 to vector<1024x128xf32>
    %dot_general3A_133 = arith.constant dense<0.000000e+00> : vector<128x128xf32>
    %dot_general3A_134 = tpu.matmul %convert_element_type3A_119, %broadcast_in_dim3A_132, %dot_general3A_133 {dimension_numbers = #tpu.dot_dimension_numbers<[1], [0], [0], [1], [0, 0, 1, 1], [], []>, transpose_lhs_hint = false} : vector<128x1024xf32>, vector<1024x128xf32>, vector<128x128xf32> -> vector<128x128xf32>
    %add3A_135 = arith.addf %get3A_130, %dot_general3A_134 : vector<128x128xf32>
    %swap3A_136 = arith.constant 0 : index
    %swap3A_137 = arith.constant 0 : index
    %swap3A_138 = vector.load %arg14[%swap3A_136, %swap3A_137] : memref<128x128xf32, #tpu.memory_space<vmem>>, vector<128x128xf32>
    tpu.vector_store %arg14[%swap3A_136, %swap3A_137], %add3A_135 {strides = array<i32>} : memref<128x128xf32, #tpu.memory_space<vmem>>, vector<128x128xf32>,
    %eq3A_139 = arith.constant 9 : i32
    %eq3A_140 = arith.cmpi eq, %arg0, %eq3A_139 : i32
    %convert_element_type3A_141 = arith.extui %eq3A_140 : i1 to i32
    %cond3A_142 = arith.constant 0 : i32
    %cond3A_143 = arith.cmpi ne, %convert_element_type3A_141, %cond3A_142 : i32
    scf.if %cond3A_143 {
      %get3A_144 = arith.constant 0 : index
      %get3A_145 = arith.constant 0 : index
      %get3A_146 = vector.load %arg13[%get3A_144, %get3A_145] : memref<128x128xf32, #tpu.memory_space<vmem>>, vector<128x128xf32>
      %get3A_147 = arith.constant 0 : index
      %get3A_148 = arith.constant 0 : index
      %get3A_149 = vector.load %arg14[%get3A_147, %get3A_148] : memref<128x128xf32, #tpu.memory_space<vmem>>, vector<128x128xf32>
      %max3A_150 = arith.constant 1.000000e+00 : f32
      %max3A_151 = vector.broadcast %max3A_150 : f32 to vector<128x128xf32>
      %max3A_152 = arith.maximumf %get3A_149, %max3A_151 : vector<128x128xf32>
      %div3A_153 = arith.divf %get3A_146, %max3A_152 : vector<128x128xf32>
      %get3A_154 = arith.constant 0 : index
      %get3A_155 = arith.constant 0 : index
      %get3A_156 = vector.load %arg7[%get3A_154, %get3A_155] : memref<128x128xf32, #tpu.memory_space<vmem>>, vector<128x128xf32>
      %dot_general3A_157 = arith.constant dense<0.000000e+00> : vector<128x128xf32>
      %dot_general3A_158 = tpu.matmul %div3A_153, %get3A_156, %dot_general3A_157 {dimension_numbers = #tpu.dot_dimension_numbers<[1], [0], [0], [1], [0, 0, 1, 1], [], []>, transpose_lhs_hint = false} : vector<128x128xf32>, vector<128x128xf32>, vector<128x128xf32> -> vector<128x128xf32>
      %get3A_159 = arith.constant 0 : index
      %get3A_160 = arith.constant 0 : index
      %get3A_161 = vector.load %arg10[%get3A_159, %get3A_160] : memref<1x128xf32, #tpu.memory_space<vmem>>, vector<1x128xf32>
      %add3A_162 = vector.broadcast %get3A_161 : vector<1x128xf32> to vector<128x128xf32>
      %add3A_163 = arith.addf %dot_general3A_158, %add3A_162 : vector<128x128xf32>
      %max3A_164 = arith.constant 0.000000e+00 : f32
      %max3A_165 = vector.broadcast %max3A_164 : f32 to vector<128x128xf32>
      %max3A_166 = arith.maximumf %add3A_163, %max3A_165 : vector<128x128xf32>
      %get3A_167 = arith.constant 0 : index
      %get3A_168 = arith.constant 0 : index
      %get3A_169 = vector.load %arg8[%get3A_167, %get3A_168] : memref<128x128xf32, #tpu.memory_space<vmem>>, vector<128x128xf32>
      %dot_general3A_170 = arith.constant dense<0.000000e+00> : vector<128x128xf32>
      %dot_general3A_171 = tpu.matmul %max3A_166, %get3A_169, %dot_general3A_170 {dimension_numbers = #tpu.dot_dimension_numbers<[1], [0], [0], [1], [0, 0, 1, 1], [], []>, transpose_lhs_hint = false} : vector<128x128xf32>, vector<128x128xf32>, vector<128x128xf32> -> vector<128x128xf32>
      %get3A_172 = arith.constant 0 : index
      %get3A_173 = arith.constant 0 : index
      %get3A_174 = vector.load %arg11[%get3A_172, %get3A_173] : memref<1x128xf32, #tpu.memory_space<vmem>>, vector<1x128xf32>
      %add3A_175 = vector.broadcast %get3A_174 : vector<1x128xf32> to vector<128x128xf32>
      %add3A_176 = arith.addf %dot_general3A_171, %add3A_175 : vector<128x128xf32>
      %iota3A_177 = tpu.iota {dimensions = array<i32: 1>} : vector<128x128xi32>
      %lt3A = arith.constant 10 : i32
      %lt3A_178 = vector.broadcast %lt3A : i32 to vector<128x128xi32>
      %lt3A_179 = arith.cmpi slt, %iota3A_177, %lt3A_178 : vector<128x128xi32>
      %jit3A_180 = arith.constant -1.000000e+30 : f32
      %broadcast_in_dim3A_181 = vector.broadcast %jit3A_180 : f32 to vector<128x128xf32>
      %select_n3A_182 = arith.select %lt3A_179, %add3A_176, %broadcast_in_dim3A_181 : vector<128x128xi1>, vector<128x128xf32>
      %reduce_max3A = arith.constant dense<0xFF800000> : vector<128xf32>
      %reduce_max3A_183 = vector.multi_reduction <maximumf>, %select_n3A_182, %reduce_max3A [1] : vector<128x128xf32> to vector<128xf32>
      %broadcast_in_dim3A_184 = vector.shape_cast %reduce_max3A_183 : vector<128xf32> to vector<128x1xf32>
      %sub3A = vector.broadcast %broadcast_in_dim3A_184 : vector<128x1xf32> to vector<128x128xf32>
      %sub3A_185 = arith.subf %select_n3A_182, %sub3A : vector<128x128xf32>
      %exp3A = math.exp %sub3A_185 : vector<128x128xf32>
      %reduce_sum3A_186 = arith.constant dense<0.000000e+00> : vector<128xf32>
      %reduce_sum3A_187 = vector.multi_reduction <add>, %exp3A, %reduce_sum3A_186 [1] : vector<128x128xf32> to vector<128xf32>
      %broadcast_in_dim3A_188 = vector.shape_cast %reduce_sum3A_187 : vector<128xf32> to vector<128x1xf32>
      %div3A_189 = vector.broadcast %broadcast_in_dim3A_188 : vector<128x1xf32> to vector<128x128xf32>
      %div3A_190 = arith.divf %exp3A, %div3A_189 : vector<128x128xf32>
      %slice3A_191 = vector.extract_strided_slice %div3A_190 {offsets = [0, 0], sizes = [16, 128], strides = [1, 1]} : vector<128x128xf32> to vector<16x128xf32>
      %swap3A_192 = arith.constant 0 : index
      %swap3A_193 = arith.constant 0 : index
      %swap3A_194 = vector.load %arg12[%swap3A_192, %swap3A_193] : memref<16x128xf32, #tpu.memory_space<vmem>>, vector<16x128xf32>
      tpu.vector_store %arg12[%swap3A_192, %swap3A_193], %slice3A_191 {strides = array<i32>} : memref<16x128xf32, #tpu.memory_space<vmem>>, vector<16x128xf32>,
    } else {
    }
    return
  }
  func.func @transform_0(%arg0: i32) -> (i32, i32) {
    %c0_i32 = arith.constant 0 : i32
    %c0_i32_0 = arith.constant 0 : i32
    return %arg0, %c0_i32 : i32, i32
  }
  func.func @transform_1(%arg0: i32) -> (i32, i32, i32) {
    %c0_i32 = arith.constant 0 : i32
    %c0_i32_0 = arith.constant 0 : i32
    %c0_i32_1 = arith.constant 0 : i32
    return %c0_i32, %arg0, %c0_i32_0 : i32, i32, i32
  }
  func.func @transform_2(%arg0: i32) -> (i32, i32) {
    %c0_i32 = arith.constant 0 : i32
    %c0_i32_0 = arith.constant 0 : i32
    return %c0_i32, %arg0 : i32, i32
  }
  func.func @transform_3(%arg0: i32) -> (i32, i32, i32) {
    %c0_i32 = arith.constant 0 : i32
    %c0_i32_0 = arith.constant 0 : i32
    %c0_i32_1 = arith.constant 0 : i32
    return %arg0, %c0_i32, %c0_i32_0 : i32, i32, i32
  }
  func.func @transform_4(%arg0: i32) -> (i32, i32) {
    %c0_i32 = arith.constant 0 : i32
    %c0_i32_0 = arith.constant 0 : i32
    %c0_i32_1 = arith.constant 0 : i32
    return %c0_i32, %c0_i32_0 : i32, i32
  }
  func.func @transform_5(%arg0: i32) -> (i32, i32) {
    %c0_i32 = arith.constant 0 : i32
    %c0_i32_0 = arith.constant 0 : i32
    %c0_i32_1 = arith.constant 0 : i32
    return %c0_i32, %c0_i32_0 : i32, i32
  }
  func.func @transform_6(%arg0: i32) -> (i32, i32) {
    %c0_i32 = arith.constant 0 : i32
    %c0_i32_0 = arith.constant 0 : i32
    %c0_i32_1 = arith.constant 0 : i32
    return %c0_i32, %c0_i32_0 : i32, i32
  }
  func.func @transform_7(%arg0: i32) -> (i32, i32) {
    %c0_i32 = arith.constant 0 : i32
    %c0_i32_0 = arith.constant 0 : i32
    %c0_i32_1 = arith.constant 0 : i32
    return %c0_i32, %c0_i32_0 : i32, i32
  }
  func.func @transform_8(%arg0: i32) -> (i32, i32) {
    %c0_i32 = arith.constant 0 : i32
    %c0_i32_0 = arith.constant 0 : i32
    %c0_i32_1 = arith.constant 0 : i32
    return %c0_i32, %c0_i32_0 : i32, i32
  }
  func.func @transform_9(%arg0: i32) -> (i32, i32) {
    %c0_i32 = arith.constant 0 : i32
    %c0_i32_0 = arith.constant 0 : i32
    %c0_i32_1 = arith.constant 0 : i32
    return %c0_i32, %c0_i32_0 : i32, i32
  }
  func.func @transform_10(%arg0: i32) -> (i32, i32) {
    %c0_i32 = arith.constant 0 : i32
    %c0_i32_0 = arith.constant 0 : i32
    %c0_i32_1 = arith.constant 0 : i32
    return %c0_i32, %c0_i32_0 : i32, i32
  }
  func.func @transform_11(%arg0: i32) -> (i32, i32) {
    %c0_i32 = arith.constant 0 : i32
    %c0_i32_0 = arith.constant 0 : i32
    %c0_i32_1 = arith.constant 0 : i32
    return %c0_i32, %c0_i32_0 : i32, i32
  }
}

</mosaic_0001>

<sc_bundles>
// kernel: kernel.4.cloned.1.call-start
scs
__scs_entry_jumppad:
0x0: {  	(pc) =	sbr.rel $0x88, $3  }
0x1: {  	(tag) =	ssettag $0x0;
	lr =	simm.s32 $0x1  }
0x2: {  	[smem:$0x3F97] =	sst lr;
	_ =	strace $0xD0000000  }
0x3: {  	_ = 	snop  }
0x4: {  	_ = 	snop  }
0x5: {  	_ = 	snop  }
0x6: {  	_ = 	snop  }
0x7: {  	_ = 	snop  }
__scs_overlays_trampoline_lowered:
0x8: {  	[smem:$0x3FA6] =	sst s0  }
0x9: {  	[smem:$0x3FA7] =	sst s1  }
0xa: {  	[smem:$0x3FA8] =	sst s2  }
0xb: {  	[smem:$0x3FA9] =	sst s3  }
0xc: {  	[smem:$0x3FAA] =	sst s4  }
0xd: {  	[smem:$0x3FAB] =	sst s5  }
0xe: {  	[smem:$0x3FAC] =	sst s6  }
0xf: {  	[smem:$0x3FAD] =	sst s7  }
0x10: {  	[smem:$0x3FAE] =	sst s8  }
0x11: {  	[smem:$0x3FAF] =	sst s9;
	s0 =	simm.s32 @!p0 $0x0  }
0x12: {  	s1 =	sld [smem:$0x3F95];
	s0 =	simm.s32 @p0 $0x1  }
0x13: {  	[smem:$0x3FB0] =	sst s0;
	s0 =	simm.s32 @!p1 $0x0  }
0x14: {  	s2 =	sld [smem:$0x3F94];
	s0 =	simm.s32 @p1 $0x1  }
0x15: {  	[smem:$0x3FB1] =	sst s0;
	s0 =	simm.s32 @!p2 $0x0  }
0x16: {  	s3 =	sld [smem:$0x3FDB];
	s0 =	simm.s32 @p2 $0x1  }
0x17: {  	s4 =	simm.s32 $0x1BF5;
	[smem:$0x3FB3] =	sst s0  }
0x18: {  	s0 =	sld [smem:$0x3F96];
	_ =	swait.ge [sflag:s4], $0x0  }
0x19: {  	s7 =	sld [smem:$0x3F97]  }
0x1a: {  	s8 =	sadd.s32 $0xFFFFE003, lr  }
0x1b: {  	s9 =	sadd.s32 $0xFFFFFEF7, lr;
	s5 =	simm.s32 $0xFFFFFFFF;
	p2 =	slt.u32 s8, $0xFFFFF086  }
0x1c: {  	p1 =	slt.u32 s9, $0xF7A;
	s5 =	simm.s32 @!p2 $0x0  }
0x1d: {  	s5 =	simm.s32 @p1 $0x1;
	p0 =	seq.s32 s7, s2  }
0x1e: {  	s7 =	smul.u32 @!p0 $0xF7A, s2;
	p2 =	seq.s32 @!p0 s5, $0x0  }
0x1f: {  	s9 =	smul.u32 $0xF7A, s1;
	s8 =	simm.s32 @!p0 $0x1BF5;
	p2 =	por !p2, p0  }
0x20: {  	[sflag:s8] =	ssyncset.s32 @!p0 $0xFFFFF086;
	s6 =	sadd.s32 @!p0 s3, s7;
	s7 =	simm.s32 @!p0 $0x108  }
0x21: {  	s3 =	sadd.s32 s3, s9;
	s6 =	sadd.s32 @!p0 $0x88, s6;
	s7 =	simm.s32 @p2 $0x1082  }
0x22: {  	[simem:s7], [sflag:s8] =	dma.local @!p0 [hbm:s6], $0xF7A  }
0x23: {  	s9 =	sor.u32 $0xD0000000, s2;
	s6 =	simm.s32 $0x108;
	_ =	swait.ge @!p0 [sflag:s8], $0x0  }
0x24: {  	s3 =	sadd.s32 $0x88, s3;
	s6 =	simm.s32 @!p1 $0x1082;
	[sflag:s4] =	ssyncset.s32 $0xFFFFF086  }
0x25: {  	[simem:s6], [sflag:s4] =	dma.local [hbm:s3], $0xF7A  }
0x26: {  	[smem:$0x3F97] =	sst s1;
	(tag) =	ssettag s2;
	_ =	strace s9  }
0x27: {  	s1 =	sld [smem:$0x3FA7]  }
0x28: {  	s2 =	sld [smem:$0x3FA8]  }
0x29: {  	s4 =	sld [smem:$0x3FAA]  }
0x2a: {  	p0 =	seq.s32 s5, $0x0;
	s5 =	sld [smem:$0x3FAB]  }
0x2b: {  	s6 =	sld [smem:$0x3FAC]  }
0x2c: {  	s7 =	sld [smem:$0x3FAD]  }
0x2d: {  	s3 =	simm.s32 $0x108;
	s8 =	sld [smem:$0x3FAE]  }
0x2e: {  	s3 =	simm.s32 @!p0 $0x1082;
	s9 =	sld [smem:$0x3FAF]  }
0x2f: {  	lr =	sadd.s32 s0, s3;
	s0 =	sld [smem:$0x3FA6]  }
0x30: {  	s3 =	sld [smem:$0x3FA9]  }
0x31: {  	[smem:$0x3FB2] =	sst s10  }
0x32: {  	s10 =	sld [smem:$0x3FB0];
	_ =	sdelay $0x3  }
0x33: {  	p0 =	seq.s32 s10, $0x1;
	s10 =	sld [smem:$0x3FB2];
	_ =	sdelay $0x3  }
0x34: {  	[smem:$0x3FB2] =	sst s10  }
0x35: {  	s10 =	sld [smem:$0x3FB1];
	_ =	sdelay $0x3  }
0x36: {  	p1 =	seq.s32 s10, $0x1;
	s10 =	sld [smem:$0x3FB2];
	_ =	sdelay $0x3  }
0x37: {  	[smem:$0x3FB2] =	sst s10  }
0x38: {  	s10 =	sld [smem:$0x3FB3]  }
0x39: {  	_ = 	snop;
	(pc) =	sbr.ind lr, $3  }
0x3a: {  	_ = 	snop  }
0x3b: {  	_ = 	snop  }
0x3c: {  	p2 =	seq.s32 s10, $0x1;
	s10 =	sld [smem:$0x3FB2]  }
0x3d: {  	_ =	shalt  }
0x3e: {  	_ =	shalt  }
0x3f: {  	_ =	shalt  }
0x40: {  	_ =	shalt  }
0x41: {  	_ =	shalt  }
0x42: {  	_ =	shalt  }
0x43: {  	_ =	shalt  }
0x44: {  	_ =	shalt  }
0x45: {  	_ =	shalt  }
0x46: {  	_ =	shalt  }
0x47: {  	_ =	shalt  }
0x48: {  	_ =	shalt  }
0x49: {  	_ =	shalt  }
0x4a: {  	_ =	shalt  }
0x4b: {  	_ =	shalt  }
0x4c: {  	_ =	shalt  }
0x4d: {  	_ =	shalt  }
0x4e: {  	_ =	shalt  }
0x4f: {  	_ =	shalt  }
0x50: {  	_ =	shalt  }
0x51: {  	_ =	shalt  }
0x52: {  	_ =	shalt  }
0x53: {  	_ =	shalt  }
0x54: {  	_ =	shalt  }
0x55: {  	_ =	shalt  }
0x56: {  	_ =	shalt  }
0x57: {  	_ =	shalt  }
0x58: {  	_ =	shalt  }
0x59: {  	_ =	shalt  }
0x5a: {  	_ =	shalt  }
0x5b: {  	_ =	shalt  }
0x5c: {  	_ =	shalt  }
0x5d: {  	_ =	shalt  }
0x5e: {  	_ =	shalt  }
0x5f: {  	_ =	shalt  }
0x60: {  	_ =	shalt  }
0x61: {  	_ =	shalt  }
0x62: {  	_ =	shalt  }
0x63: {  	_ =	shalt  }
0x64: {  	_ =	shalt  }
0x65: {  	_ =	shalt  }
0x66: {  	_ =	shalt  }
0x67: {  	_ =	shalt  }
0x68: {  	_ =	shalt  }
0x69: {  	_ =	shalt  }
0x6a: {  	_ =	shalt  }
0x6b: {  	_ =	shalt  }
0x6c: {  	_ =	shalt  }
0x6d: {  	_ =	shalt  }
0x6e: {  	_ =	shalt  }
0x6f: {  	_ =	shalt  }
0x70: {  	_ =	shalt  }
0x71: {  	_ =	shalt  }
0x72: {  	_ =	shalt  }
0x73: {  	_ =	shalt  }
0x74: {  	_ =	shalt  }
0x75: {  	_ =	shalt  }
0x76: {  	_ =	shalt  }
0x77: {  	_ =	shalt  }
0x78: {  	_ =	shalt  }
0x79: {  	_ =	shalt  }
0x7a: {  	_ =	shalt  }
0x7b: {  	_ =	shalt  }
0x7c: {  	_ =	shalt  }
0x7d: {  	_ =	shalt  }
0x7e: {  	_ =	shalt  }
0x7f: {  	_ =	shalt  }
0x80: {  	_ =	shalt  }
0x81: {  	_ =	shalt  }
0x82: {  	_ =	shalt  }
0x83: {  	_ =	shalt  }
0x84: {  	_ =	shalt  }
0x85: {  	_ =	shalt  }
0x86: {  	_ =	shalt  }
0x87: {  	_ =	shalt  }
.Lfunc_end0:
.L_simem_size_0:
called_computation_lowered:
.L_overlay_start_0:
0x88: {  	s2 =	sld [smem:$0x3FD9]  }
0x89: {  	s3 =	sld [smem:$0x3FFE];
	_ =	sdelay $0x1  }
0x8a: {  	s1 =	srdreg.scid  }
0x8b: {  	s0 =	sand.u32 $0x1, s1  }
0x8c: {  	s17 =	sshll.u32 s0, $0xA;
	s2 =	sadd.s32 s3, s2  }
0x8d: {  	s2 =	sadd.s32 s2, s17  }
0x8e: {  	[smem:$0x3FBE] =	sst s2  }
0x8f: {  	_ = 	snop  }
0x90: {  	s2 =	sld [smem:$0x3FC9];
	(tm) =	ssettm $0x1  }
0x91: {  	s18 =	sld [smem:$0x3FFB];
	_ =	sdelay $0x3  }
0x92: {  	_ =	strace s18  }
0x93: {  	s3 =	sld [smem:$0x3FFC];
	_ =	sdelay $0x3  }
0x94: {  	_ =	strace s3  }
0x95: {  	s3 =	sld [smem:$0x3FFD];
	_ =	sdelay $0x3  }
0x96: {  	_ =	strace s3  }
0x97: {  	_ =	strace $0x8FFFFFFF  }
0x98: {  	s19 =	sld [smem:$0x3FDB];
	_ =	sdelay $0x1  }
0x99: {  	s4 =	simm.s32 $_scs_section_size  }
0x9a: {  	s5 =	simm.s32 $_size__tile_overlayer_lowered;
	s6 =	simm.s32 $_tile_overlayer_lowered  }
0x9b: {  	s22 =	simm.s32 $0x1BFF;
	s21 =	sshll.u32 s6, $0x1;
	s3 =	sadd.s32 s4, s19  }
0x9c: {  	s7 =	simm.s32 $0x0;
	s20 =	sshll.u32 s5, $0x1;
	s5 =	sadd.s32 s21, s3  }
0x9d: {  	[timem:s7], [sflag:s22] =	dma.local [hbm:s5], s20  }
0x9e: {  	_ =	swait.ge [sflag:s22], s20  }
0x9f: {  	s4 =	ssub.s32 $0x0, s20;
	[sflag:s22] =	ssyncset.done $0x0  }
0xa0: {  	[sflag:s22] =	ssyncadd.s32 s4;
	_ =	sdelay $0x1  }
0xa1: {  	s23 =	simm.s32 $0x1B8B  }
0xa2: {  	_ =	swait.ge [sflag:s23], $0x1  }
0xa3: {  	[sflag:s23] =	ssyncset.done $0x0  }
0xa4: {  	s25 =	simm.s32 $0x1B8E;
	s24 =	sld [smem:$0x3FFE];
	[sflag:s23] =	ssyncadd.s32 $0xFFFFFFFF  }
0xa5: {  	s26 =	simm.s32 $execute0_lowered;
	[smem:$0x3FD2] =	sst s25  }
0xa6: {  	s5 =	sshll.u32 s26, $0x1;
	_ =	strace $0x80000046;
	[dreg:$0x1] =	wrdreg $0xFFFFFFFF  }
0xa7: {  	s28 =	simm.s32 $_size_execute0_lowered;
	s3 =	sadd.s32 s3, s5;
	[dreg:$0x0] =	wrdreg $0x0  }
0xa8: {  	s5 =	sshll.u32 s28, $0x1;
	[dreg:$0x2] =	wrdreg s3  }
0xa9: {  	[dreg:$0x3] =	wrdreg s5  }
0xaa: {  	[dreg:$0x4] =	wrdreg $0xC0  }
0xab: {  	_ =	task [dreg:s7], $0x5FFFF  }
0xac: {  	[dreg:$0x1] =	wrdreg $0xFFFFFFFF  }
0xad: {  	[dreg:$0x0] =	wrdreg $0x60  }
0xae: {  	[dreg:$0x2] =	wrdreg s2  }
0xaf: {  	[dreg:$0x3] =	wrdreg s24  }
0xb0: {  	[dreg:$0x4] =	wrdreg $0x0  }
0xb1: {  	[dreg:$0x5] =	wrdreg $0x9  }
0xb2: {  	_ =	task.clear_ibuf [dreg:s7], $0x6FFFF;
	_ =	strace $0x90000046  }
0xb3: {  	s29 =	simm.s32 $0x9;
	_ =	strace $0x80000048  }
0xb4: {  	_ =	swait.ge [sflag:s29], $0x1  }
0xb5: {  	[sflag:s29] =	ssyncadd.s32 $0xFFFFFFFF  }
0xb6: {  	_ =	strace $0x90000048  }
0xb7: {  	_ =	sfence  }
0xb8: {  	s30 =	sld [smem:$0x0];
	_ =	sdelay $0x2  }
0xb9: {  	s31 =	sshll.u32 s1, $0xD;
	s1 =	sshrl.u32 s1, $0x2  }
0xba: {  	s3 =	sand.u32 $0x4000, s31;
	s1 =	sadd.s32 s1, s30  }
0xbb: {  	s0 =	sor.u32 s3, s0;
	s1 =	sshll.u32 s1, $0x11  }
0xbc: {  	s0 =	sor.u32 s1, s0  }
0xbd: {  	s0 =	sadd.s32 $0x8F2B, s0  }
0xbe: {  	[sflag:s0] =	ssyncadd.remote.s32 $0x1  }
0xbf: {  	_ =	sfence.sel $0xFFFF  }
0xc0: {  	[dreg:$0x0] =	wrdreg $0xFFFFFFFF;
	(pc) =	sbr.abs _section_cstart, $3  }
0xc1: {  	[dreg:$0x1] =	wrdreg $0xFFFFFFFF  }
0xc2: {  	_ =	task.clear_ibuf [dreg:s7], $0x2FFFF;
	_ =	strace $0x9FFFFFFF  }
0xc3: {  	(tm) =	ssettm $0x7FFFFFFF  }
tec
execute0_lowered:
.L_overlay_start_1:
0x0: {  	(tag) =	ssettag $0x1  }
0x1: {  	s1 =	rddreg [dreg:$0x0]  }
0x2: {  	s0 =	rddreg [dreg:$0x1]  }
0x3: {  	s2 =	rddreg [dreg:$0x2];
	s4 =	simm.s32 $0x0;
	s3 =	srdreg.scid  }
0x4: {  	s12 =	stileid.u32;
	s28 =	simm.s32 $0x14200;
	s29 =	simm.s32 $0x14080  }
0x5: {  	s30 =	simm.s32 $0x14180;
	s31 =	simm.s32 $0x18200;
	[smem:$0x7FF] =	sst s4  }
0x6: {  	s3 =	sand.u32 $0x1, s3;
	s5 =	sadd.s32 $0xBA00, s0;
	s6 =	sshll.u32 s12, $0x1  }
0x7: {  	s8 =	smul.u32 $0x14000, s12;
	s10 =	sshrl.u32 s12, $0x2;
	s13 =	sadd.s32 $0x15800, s0  }
0x8: {  	s23 =	sadd.s32 $0x18000, s0;
	s25 =	smul.u32 $0x50000, s12;
	s14 =	sshll.u32 s12, $0x6  }
0x9: {  	s15 =	smul.u32 $0x4E20, s12;
	s12 =	simm.s32 $0x6;
	_ =	strace $0x80000047  }
0xa: {  	s7 =	smul.u32 $0x140000, s3;
	s9 =	sor.u32 s3, s6;
	[dreg:$0x5] =	wrdreg s13  }
0xb: {  	s6 =	sadd.s32 $0x1C00, s0;
	s10 =	smul.u32 $0x14000, s10;
	[dreg:$0x6] =	wrdreg s23  }
0xc: {  	s24 =	ssub.s32 $0x2, s3;
	s3 =	smul.u32 $0x2710, s3;
	s11 =	sshll.u32 s9, $0x7  }
0xd: {  	s26 =	sshrl.u32 s24, $0x1;
	s9 =	smul.u32 $0x2710, s9;
	s13 =	sshrl.u32 s25, $0x2  }
0xe: {  	s7 =	sadd.s32 s8, s7;
	s22 =	sand.u32 $0x380, s11;
	s3 =	sadd.s32 s3, s15  }
0xf: {  	s11 =	simm.s32 $0x4;
	s7 =	sshrl.u32 s7, $0x3;
	s8 =	sor.u32 s10, s22  }
0x10: {  	s10 =	sadd.s32 s13, s2;
	s9 =	sshrl.u32 s9, $0x3;
	s22 =	sadd.s32 $0x180, s3  }
0x11: {  	s13 =	simm.s32 $0x8;
	s8 =	sshrl.u32 s8, $0x3;
	s7 =	sadd.s32 s7, s0  }
0x12: {  	[dreg:$0x7] =	wrdreg s10;
	s10 =	sor.u32 $0x1C0A, s14;
	s16 =	sadd.s32 s5, s9  }
0x13: {  	s17 =	sadd.s32 s6, s9;
	s18 =	sadd.s32 $0x10, s9;
	s9 =	sadd.s32 $0x4E0, s9  }
0x14: {  	s23 =	sshrl.u32 s22, $0x3;
	s22 =	simm.s32 $0xA;
	[dreg:$0x8] =	wrdreg s16  }
0x15: {  	s0 =	sadd.s32 s8, s0;
	[dreg:$0x9] =	wrdreg s17;
	s19 =	sadd.s32 s5, s18  }
0x16: {  	s8 =	ssub.s32 s24, s26;
	s20 =	sadd.s32 s6, s18;
	[dreg:$0xa] =	wrdreg s19  }
0x17: {  	s21 =	sadd.s32 s5, s9;
	s9 =	sadd.s32 s6, s9;
	[dreg:$0xb] =	wrdreg s20  }
0x18: {  	s7 =	sadd.s32 $0x18600, s7;
	s25 =	sadd.s32 s23, s6;
	[dreg:$0xc] =	wrdreg s21  }
0x19: {  	s26 =	sadd.s32 $0x100, s3;
	s3 =	simm.s32 $0x3;
	[dreg:$0xd] =	wrdreg s9  }
0x1a: {  	s18 =	simm.s32 $0x9;
	[dreg:$0xe] =	wrdreg s7;
	s0 =	sadd.s32 $0x68600, s0  }
0x1b: {  	s24 =	smax.u32 s8, $0x1;
	[dreg:$0x4] =	wrdreg s25;
	s20 =	sadd.s32 s23, s5  }
0x1c: {  	[dreg:$0x11] =	wrdreg s26;
	s23 =	simm.s32 $0x1CB00;
	s25 =	simm.s32 $0x14100  }
0x1d: {  	s26 =	simm.s32 $0x80;
	s7 =	simm.s32 $0x5;
	s8 =	simm.s32 $0x7  }
0x1e: {  	s9 =	simm.s32 $0x2;
	s19 =	simm.s32 $0x0;
	[dreg:$0xf] =	wrdreg s0  }
0x1f: {  	v0 =	vimm.f32 $1.000000000e+00;
	[dreg:$0x10] =	wrdreg s24;
	s24 =	simm.s32 $0x14000;
	s0 =	simm.s32 $0x1  }
.LBB2_1:
0x20: {  	s14 =	rddreg [dreg:$0x7]  }
0x21: {  	s15 =	rddreg [dreg:$0x5];
	s21 =	sshrl.u32 s14, $0x3  }
0x22: {  	[spmem:s21], [sflag:s10] =	dma.local [hbm:s15], $0x2800  }
0x23: {  	_ =	swait.ge [sflag:s22], $0x2800  }
0x24: {  	[sflag:s22] =	ssyncset.done $0x0  }
0x25: {  	s16 =	rddreg [dreg:$0x6];
	[sflag:s22] =	ssyncadd.s32 $0xFFFFD800  }
0x26: {  	[tilespmem:s23], [sflag:$0xA] =	stream.linear.gather [hbm4b:s16+s4], $0x2800, $0x38;
	[tilespmem:$0x1F300] =	vst v63  }
0x27: {  	_ =	swait.ge [sflag:s22], $0x2800  }
0x28: {  	[sflag:s22] =	ssyncset.done $0x0  }
0x29: {  	s17 =	rddreg [dreg:$0x8];
	[sflag:s22] =	ssyncadd.s32 $0xFFFFD800  }
0x2a: {  	[tilespmem:s24], [sflag:$0xA] =	stream.linear.gather [hbm4b:s17+s4], $0x80, $0x38;
	[tilespmem:$0x1F300] =	vst v63  }
0x2b: {  	_ =	swait.ge [sflag:s22], $0x80  }
0x2c: {  	[sflag:s22] =	ssyncset.done $0x0  }
0x2d: {  	s15 =	rddreg [dreg:$0x9];
	[sflag:s22] =	ssyncadd.s32 $0xFFFFFF80  }
0x2e: {  	[tilespmem:s25], [sflag:$0xA] =	stream.linear.gather [hbm4b:s15+s4], $0x80, $0x38;
	[tilespmem:$0x1F300] =	vst v63  }
0x2f: {  	_ =	swait.ge [sflag:s22], $0x80  }
0x30: {  	[sflag:s22] =	ssyncset.done $0x0  }
0x31: {  	[sflag:s22] =	ssyncadd.s32 $0xFFFFFF80  }
0x32: {  	[tilespmem:s28], [sflag:$0x1] =	stream.indirect.gather [hbm4b:s1+s26], $0x80, s24, s26, $0xb8;
	[tilespmem:$0x1F300] =	vst v63  }
0x33: {  	s16 =	rddreg [dreg:$0xa]  }
0x34: {  	[tilespmem:s29], [sflag:$0xA] =	stream.linear.gather [hbm4b:s16+s4], $0x80, $0x38;
	[tilespmem:$0x1F300] =	vst v63  }
0x35: {  	_ =	swait.ge [sflag:s22], $0x80  }
0x36: {  	[sflag:s22] =	ssyncset.done $0x0  }
0x37: {  	s17 =	rddreg [dreg:$0xb];
	[sflag:s22] =	ssyncadd.s32 $0xFFFFFF80  }
0x38: {  	[tilespmem:s30], [sflag:$0xA] =	stream.linear.gather [hbm4b:s17+s4], $0x80, $0x38;
	[tilespmem:$0x1F300] =	vst v63  }
0x39: {  	_ =	swait.ge [sflag:s22], $0x80  }
0x3a: {  	[sflag:s22] =	ssyncset.done $0x0  }
0x3b: {  	[sflag:s22] =	ssyncadd.s32 $0xFFFFFF80  }
0x3c: {  	[tilespmem:s31], [sflag:$0x2] =	stream.indirect.gather [hbm4b:s1+s26], $0x80, s29, s26, $0xb8;
	[tilespmem:$0x1F300] =	vst v63  }
0x3d: {  	[bflag:$0x0] =	sbarrier.arrive $0xFFFF  }
0x3e: {  	s15 =	simm.s32 $0x0;
	s14 =	rddreg [dreg:$0x11]  }
.LBB2_2:
0x3f: {  	_ =	swait.ge [sflag:s0], $0x4000  }
0x40: {  	[sflag:s0] =	ssyncset.done $0x0  }
0x41: {  	s16 =	sshrl.u32 s14, $0x3;
	[sflag:s0] =	ssyncadd.s32 $0xFFFFC000  }
0x42: {  	[spmem:s2] =	stream.indirect.scatter.add.f32 [tilespmem:s28], [sflag:$0x3], $0x80, s25, s26, $0xb8;
	[tilespmem:$0x1F300] =	vst v63  }
0x43: {  	s17 =	sadd.s32 s5, s16  }
0x44: {  	[tilespmem:s24], [sflag:$0x5] =	stream.linear.gather [hbm4b:s17+s4], $0x80, $0x38;
	[tilespmem:$0x1F300] =	vst v63  }
0x45: {  	v1 =	vld [tilespmem:$0x14100];
	_ =	sdelay $0x7  }
0x46: {  	[tilespmem:v1+s23+$0x0] =	vst.idx.add.f32.msk $0xffff, v0  }
0x47: {  	v1 =	vld [tilespmem:$0x14110];
	_ =	sdelay $0x7  }
0x48: {  	[tilespmem:v1+s23+$0x0] =	vst.idx.add.f32.msk $0xffff, v0  }
0x49: {  	v1 =	vld [tilespmem:$0x14120];
	_ =	sdelay $0x7  }
0x4a: {  	[tilespmem:v1+s23+$0x0] =	vst.idx.add.f32.msk $0xffff, v0  }
0x4b: {  	v1 =	vld [tilespmem:$0x14130];
	_ =	sdelay $0x7  }
0x4c: {  	[tilespmem:v1+s23+$0x0] =	vst.idx.add.f32.msk $0xffff, v0  }
0x4d: {  	v1 =	vld [tilespmem:$0x14140];
	_ =	sdelay $0x7  }
0x4e: {  	[tilespmem:v1+s23+$0x0] =	vst.idx.add.f32.msk $0xffff, v0  }
0x4f: {  	v1 =	vld [tilespmem:$0x14150];
	_ =	sdelay $0x7  }
0x50: {  	[tilespmem:v1+s23+$0x0] =	vst.idx.add.f32.msk $0xffff, v0  }
0x51: {  	v1 =	vld [tilespmem:$0x14160];
	_ =	sdelay $0x7  }
0x52: {  	[tilespmem:v1+s23+$0x0] =	vst.idx.add.f32.msk $0xffff, v0  }
0x53: {  	v1 =	vld [tilespmem:$0x14170];
	_ =	sdelay $0x7  }
0x54: {  	[tilespmem:v1+s23+$0x0] =	vst.idx.add.f32.msk $0xffff, v0  }
0x55: {  	_ =	swait.ge [sflag:s3], $0x4000  }
0x56: {  	[sflag:s3] =	ssyncset.done $0x0  }
0x57: {  	s16 =	sadd.s32 s6, s16;
	[sflag:s3] =	ssyncadd.s32 $0xFFFFC000  }
0x58: {  	[tilespmem:s25], [sflag:$0x7] =	stream.linear.gather [hbm4b:s16+s4], $0x80, $0x38;
	[tilespmem:$0x1F300] =	vst v63  }
0x59: {  	_ =	swait.ge [sflag:s7], $0x80  }
0x5a: {  	[sflag:s7] =	ssyncset.done $0x0  }
0x5b: {  	[sflag:s7] =	ssyncadd.s32 $0xFFFFFF80  }
0x5c: {  	[tilespmem:s28], [sflag:$0x1] =	stream.indirect.gather [hbm4b:s1+s26], $0x80, s24, s26, $0xb8;
	[tilespmem:$0x1F300] =	vst v63  }
0x5d: {  	_ =	swait.ge [sflag:s8], $0x80  }
0x5e: {  	[sflag:s8] =	ssyncset.done $0x0  }
0x5f: {  	[sflag:s8] =	ssyncadd.s32 $0xFFFFFF80  }
0x60: {  	_ =	swait.ge [sflag:s9], $0x4000  }
0x61: {  	[sflag:s9] =	ssyncset.done $0x0  }
0x62: {  	[sflag:s9] =	ssyncadd.s32 $0xFFFFC000  }
0x63: {  	[spmem:s2] =	stream.indirect.scatter.add.f32 [tilespmem:s31], [sflag:$0x4], $0x80, s30, s26, $0xb8;
	[tilespmem:$0x1F300] =	vst v63  }
0x64: {  	s17 =	sadd.s32 s15, s20  }
0x65: {  	[tilespmem:s29], [sflag:$0x6] =	stream.linear.gather [hbm4b:s17+s4], $0x80, $0x38;
	[tilespmem:$0x1F300] =	vst v63  }
0x66: {  	v1 =	vld [tilespmem:$0x14180];
	_ =	sdelay $0x7  }
0x67: {  	[tilespmem:v1+s23+$0x0] =	vst.idx.add.f32.msk $0xffff, v0  }
0x68: {  	v1 =	vld [tilespmem:$0x14190];
	_ =	sdelay $0x7  }
0x69: {  	[tilespmem:v1+s23+$0x0] =	vst.idx.add.f32.msk $0xffff, v0  }
0x6a: {  	v1 =	vld [tilespmem:$0x141A0];
	_ =	sdelay $0x7  }
0x6b: {  	[tilespmem:v1+s23+$0x0] =	vst.idx.add.f32.msk $0xffff, v0  }
0x6c: {  	v1 =	vld [tilespmem:$0x141B0];
	_ =	sdelay $0x7  }
0x6d: {  	[tilespmem:v1+s23+$0x0] =	vst.idx.add.f32.msk $0xffff, v0  }
0x6e: {  	v1 =	vld [tilespmem:$0x141C0];
	_ =	sdelay $0x7  }
0x6f: {  	[tilespmem:v1+s23+$0x0] =	vst.idx.add.f32.msk $0xffff, v0  }
0x70: {  	v1 =	vld [tilespmem:$0x141D0];
	_ =	sdelay $0x7  }
0x71: {  	[tilespmem:v1+s23+$0x0] =	vst.idx.add.f32.msk $0xffff, v0  }
0x72: {  	v1 =	vld [tilespmem:$0x141E0];
	_ =	sdelay $0x7  }
0x73: {  	[tilespmem:v1+s23+$0x0] =	vst.idx.add.f32.msk $0xffff, v0  }
0x74: {  	v1 =	vld [tilespmem:$0x141F0];
	_ =	sdelay $0x7  }
0x75: {  	[tilespmem:v1+s23+$0x0] =	vst.idx.add.f32.msk $0xffff, v0  }
0x76: {  	_ =	swait.ge [sflag:s11], $0x4000  }
0x77: {  	s17 =	rddreg [dreg:$0x4];
	[sflag:s11] =	ssyncset.done $0x0  }
0x78: {  	[sflag:s11] =	ssyncadd.s32 $0xFFFFC000;
	s16 =	sadd.s32 s15, s17  }
0x79: {  	[tilespmem:s30], [sflag:$0x8] =	stream.linear.gather [hbm4b:s16+s4], $0x80, $0x38;
	[tilespmem:$0x1F300] =	vst v63  }
0x7a: {  	_ =	swait.ge [sflag:s12], $0x80  }
0x7b: {  	p0 =	sne.s32 s15, $0x4A0;
	[sflag:s12] =	ssyncset.done $0x0  }
.Ltmp0:
0x7c: {  	[sflag:s12] =	ssyncadd.s32 $0xFFFFFF80;
	(pc) =	sbr.rel @p0 .LBB2_2-.Ltmp0, $4  }
0x7d: {  	[tilespmem:s31], [sflag:$0x2] =	stream.indirect.gather [hbm4b:s1+s26], $0x80, s29, s26, $0xb8;
	[tilespmem:$0x1F300] =	vst v63  }
0x7e: {  	_ =	swait.ge [sflag:s13], $0x80  }
0x7f: {  	[sflag:s13] =	ssyncset.done $0x0  }
0x80: {  	s14 =	sadd.s32 $0x100, s14;
	s15 =	sadd.s32 $0x20, s15;
	[sflag:s13] =	ssyncadd.s32 $0xFFFFFF80  }
0x81: {  	_ =	swait.ge [sflag:s0], $0x4000  }
0x82: {  	[sflag:s0] =	ssyncset.done $0x0  }
0x83: {  	[sflag:s0] =	ssyncadd.s32 $0xFFFFC000  }
0x84: {  	[spmem:s2] =	stream.indirect.scatter.add.f32 [tilespmem:s28], [sflag:$0x3], $0x80, s25, s26, $0xb8;
	[tilespmem:$0x1F300] =	vst v63  }
0x85: {  	v1 =	vld [tilespmem:$0x14100];
	_ =	sdelay $0x7  }
0x86: {  	[tilespmem:v1+s23+$0x0] =	vst.idx.add.f32.msk $0xffff, v0  }
0x87: {  	v1 =	vld [tilespmem:$0x14110];
	_ =	sdelay $0x7  }
0x88: {  	[tilespmem:v1+s23+$0x0] =	vst.idx.add.f32.msk $0xffff, v0  }
0x89: {  	v1 =	vld [tilespmem:$0x14120];
	_ =	sdelay $0x7  }
0x8a: {  	[tilespmem:v1+s23+$0x0] =	vst.idx.add.f32.msk $0xffff, v0  }
0x8b: {  	v1 =	vld [tilespmem:$0x14130];
	_ =	sdelay $0x7  }
0x8c: {  	[tilespmem:v1+s23+$0x0] =	vst.idx.add.f32.msk $0xffff, v0  }
0x8d: {  	v1 =	vld [tilespmem:$0x14140];
	_ =	sdelay $0x7  }
0x8e: {  	[tilespmem:v1+s23+$0x0] =	vst.idx.add.f32.msk $0xffff, v0  }
0x8f: {  	v1 =	vld [tilespmem:$0x14150];
	_ =	sdelay $0x7  }
0x90: {  	[tilespmem:v1+s23+$0x0] =	vst.idx.add.f32.msk $0xffff, v0  }
0x91: {  	v1 =	vld [tilespmem:$0x14160];
	_ =	sdelay $0x7  }
0x92: {  	[tilespmem:v1+s23+$0x0] =	vst.idx.add.f32.msk $0xffff, v0  }
0x93: {  	v1 =	vld [tilespmem:$0x14170];
	_ =	sdelay $0x7  }
0x94: {  	[tilespmem:v1+s23+$0x0] =	vst.idx.add.f32.msk $0xffff, v0  }
0x95: {  	_ =	swait.ge [sflag:s3], $0x4000  }
0x96: {  	[sflag:s3] =	ssyncset.done $0x0  }
0x97: {  	[sflag:s3] =	ssyncadd.s32 $0xFFFFC000  }
0x98: {  	_ =	swait.ge [sflag:s9], $0x4000  }
0x99: {  	[sflag:s9] =	ssyncset.done $0x0  }
0x9a: {  	[sflag:s9] =	ssyncadd.s32 $0xFFFFC000  }
0x9b: {  	[spmem:s2] =	stream.indirect.scatter.add.f32 [tilespmem:s31], [sflag:$0x4], $0x80, s30, s26, $0xb8;
	[tilespmem:$0x1F300] =	vst v63  }
0x9c: {  	v1 =	vld [tilespmem:$0x14180];
	_ =	sdelay $0x7  }
0x9d: {  	[tilespmem:v1+s23+$0x0] =	vst.idx.add.f32.msk $0xffff, v0  }
0x9e: {  	v1 =	vld [tilespmem:$0x14190];
	_ =	sdelay $0x7  }
0x9f: {  	[tilespmem:v1+s23+$0x0] =	vst.idx.add.f32.msk $0xffff, v0  }
0xa0: {  	v1 =	vld [tilespmem:$0x141A0];
	_ =	sdelay $0x7  }
0xa1: {  	[tilespmem:v1+s23+$0x0] =	vst.idx.add.f32.msk $0xffff, v0  }
0xa2: {  	v1 =	vld [tilespmem:$0x141B0];
	_ =	sdelay $0x7  }
0xa3: {  	[tilespmem:v1+s23+$0x0] =	vst.idx.add.f32.msk $0xffff, v0  }
0xa4: {  	v1 =	vld [tilespmem:$0x141C0];
	_ =	sdelay $0x7  }
0xa5: {  	[tilespmem:v1+s23+$0x0] =	vst.idx.add.f32.msk $0xffff, v0  }
0xa6: {  	v1 =	vld [tilespmem:$0x141D0];
	_ =	sdelay $0x7  }
0xa7: {  	[tilespmem:v1+s23+$0x0] =	vst.idx.add.f32.msk $0xffff, v0  }
0xa8: {  	v1 =	vld [tilespmem:$0x141E0];
	_ =	sdelay $0x7  }
0xa9: {  	[tilespmem:v1+s23+$0x0] =	vst.idx.add.f32.msk $0xffff, v0  }
0xaa: {  	v1 =	vld [tilespmem:$0x141F0];
	_ =	sdelay $0x7  }
0xab: {  	[tilespmem:v1+s23+$0x0] =	vst.idx.add.f32.msk $0xffff, v0  }
0xac: {  	_ =	swait.ge [sflag:s11], $0x4000  }
0xad: {  	[sflag:s11] =	ssyncset.done $0x0  }
0xae: {  	s15 =	simm.s32 $0x1C200;
	s14 =	rddreg [dreg:$0xc];
	[sflag:s11] =	ssyncadd.s32 $0xFFFFC000  }
0xaf: {  	[tilespmem:s15], [sflag:$0xA] =	stream.linear.gather [hbm4b:s14+s4], $0x10, $0x38;
	[tilespmem:$0x1F300] =	vst v63  }
0xb0: {  	_ =	swait.ge [sflag:s22], $0x10  }
0xb1: {  	[sflag:s22] =	ssyncset.done $0x0  }
0xb2: {  	s16 =	simm.s32 $0x1C280;
	s17 =	rddreg [dreg:$0xd];
	[sflag:s22] =	ssyncadd.s32 $0xFFFFFFF0  }
0xb3: {  	[tilespmem:s16], [sflag:$0xA] =	stream.linear.gather [hbm4b:s17+s4], $0x10, $0x38;
	[tilespmem:$0x1F300] =	vst v63  }
0xb4: {  	_ =	swait.ge [sflag:s22], $0x10  }
0xb5: {  	[sflag:s22] =	ssyncset.done $0x0  }
0xb6: {  	s14 =	simm.s32 $0x10;
	s17 =	simm.s32 $0x1C300;
	[sflag:s22] =	ssyncadd.s32 $0xFFFFFFF0  }
0xb7: {  	[tilespmem:s17], [sflag:$0x9] =	stream.indirect.gather [hbm4b:s1+s14], $0x80, s15, s14, $0xb8;
	[tilespmem:$0x1F300] =	vst v63  }
0xb8: {  	_ =	swait.ge [sflag:s18], $0x800  }
0xb9: {  	[sflag:s18] =	ssyncset.done $0x0  }
0xba: {  	[sflag:s18] =	ssyncadd.s32 $0xFFFFF800  }
0xbb: {  	[spmem:s2] =	stream.indirect.scatter.add.f32 [tilespmem:s17], [sflag:$0xA], $0x80, s16, s14, $0xb8;
	[tilespmem:$0x1F300] =	vst v63  }
0xbc: {  	_ =	swait.ge [sflag:s22], $0x800  }
0xbd: {  	[sflag:s22] =	ssyncset.done $0x0  }
0xbe: {  	[sflag:s22] =	ssyncadd.s32 $0xFFFFF800  }
0xbf: {  	v1 =	vld [tilespmem:$0x1C280];
	_ =	sdelay $0x7  }
0xc0: {  	[tilespmem:v1+s23+$0x0] =	vst.idx.add.f32.msk $0xffff, v0  }
0xc1: {  	[bflag:$0x0] =	sbarrier.arrive $0xFFFF  }
0xc2: {  	s15 =	rddreg [dreg:$0xe]  }
0xc3: {  	[hbm:s15], [sflag:s10] =	dma.local [spmem:s21], $0x2800  }
0xc4: {  	_ =	swait.ge [sflag:s22], $0x2800  }
0xc5: {  	[sflag:s22] =	ssyncset.done $0x0  }
0xc6: {  	s17 =	simm.s32 $0x400;
	s16 =	rddreg [dreg:$0xf];
	[sflag:s22] =	ssyncadd.s32 $0xFFFFD800  }
0xc7: {  	[hbm4b:s16+s26] =	stream.strided.scatter [tilespmem:s23], [sflag:$0xA], $0x2800, s17, s26, $0x38;
	[tilespmem:$0x1F300] =	vst v63  }
0xc8: {  	_ =	swait.ge [sflag:s22], $0x2800  }
0xc9: {  	s19 =	sadd.s32 $0x1, s19;
	s21 =	rddreg [dreg:$0x10]  }
0xca: {  	p0 =	sne.s32 s19, s21  }
.Ltmp1:
0xcb: {  	_ = 	snop;
	(pc) =	sbr.rel @p0 .LBB2_1-.Ltmp1, $3  }
0xcc: {  	_ =	sdelay $0x1  }
0xcd: {  	[sflag:s22] =	ssyncset.done $0x0  }
0xce: {  	[sflag:s22] =	ssyncadd.s32 $0xFFFFD800  }
0xcf: {  	_ =	sfence.sel $0x180000  }
0xd0: {  	[bflag:$0x0] =	sbarrier.arrive $0xFFFF  }
0xd1: {  	_ =	strace $0x90000047  }
0xd2: {  	s0 =	stileid.u32;
	[bflag:$0x2] =	sbarrier.arrive $0xFFFF  }
0xd3: {  	p0 =	sne.s32 s0, $0x0;
	s0 =	rddreg [dreg:$0x3]  }
0xd4: {  	s0 =	sadd.s32 @!p0 $0x100000, s0  }
0xd5: {  	[sflag:s0] =	ssyncadd.tile.s32 @!p0 $0x1;
	_ =	shalt  }
.Lfunc_end2:
_tile_overlayer_lowered:
.L_overlay_start_2:
0xd6: {  	(tag) =	ssettag $0x2  }
0xd7: {  	s0 =	rddreg [dreg:$0x0];
	s2 =	stileid.u32  }
0xd8: {  	s1 =	rddreg [dreg:$0x1];
	p0 =	sne.s32 s2, $0x0  }
0xd9: {  	s3 =	rddreg [dreg:$0x2];
	[bflag:$0x3] =	sbarrier.arrive $0xFFFF;
	s2 =	simm.s32 @!p0 $0x1C0A  }
0xda: {  	[timem:s3], [sflag:s2] =	dma.local @!p0 [hbm:s0], s1  }
0xdb: {  	s0 =	simm.s32 @!p0 $0xA  }
0xdc: {  	_ =	swait.ge @!p0 [sflag:s0], s1  }
0xdd: {  	s1 =	ssub.s32 @!p0 $0x0, s1;
	[sflag:s0] =	ssyncset.done @!p0 $0x0  }
0xde: {  	[sflag:s0] =	ssyncadd.s32 @!p0 s1  }
0xdf: {  	[bflag:$0x3] =	sbarrier.arrive $0xFFFF  }
0xe0: {  	_ =	shalt  }

</sc_bundles>
